<compile_context>
chip_gen: v7x
topology: tpu7x:2x2x1
jax: 0.10.2.dev20260603
libtpu: 0.0.44.dev20260713+nightly
codegen_flags: <defaults>
</compile_context>

<pallas_src>
import functools

import jax
import jax.numpy as jnp
from jax import lax
from jax.experimental import pallas as pl
from jax.experimental.pallas import tpu as pltpu
from jax.experimental.pallas import tpu_sc as plsc

B = 8
N = 2048
S1 = 128
K1NB = 8
BW1 = 0.1
BW2 = 0.2
F32 = jnp.float32


def _fold(L):
    We = L['w'].T * L['g'][None, :]
    be = (L['b'] * L['g'] + L['bt'])[None, :]
    return We, be


def _perm_linear(lw, g, bt, lb, c, o):
    P = lw.reshape(lw.shape[0], c, o)
    P = jnp.transpose(P, (2, 1, 0)).reshape(o * c, lw.shape[0])
    P = P * g[None, :]
    be = (lb * g + bt)[None, :]
    return P, be


def _density_body(xt_ref, x_ref, out_ref, *, bw, n):
    XT = xt_ref[0]
    cn2 = jnp.sum(XT * XT, axis=0, keepdims=True)
    sc = -1.0 / (2.0 * bw * bw)
    out_ref[0, :, 0:3] = x_ref[0]
    chunk = 256 if n >= 256 else n
    for j in range(n // chunk):
        Xc = x_ref[0, j * chunk:(j + 1) * chunk, :]
        rn2 = jnp.sum(Xc * Xc, axis=1, keepdims=True)
        d = rn2 + cn2 - 2.0 * jnp.dot(Xc, XT, preferred_element_type=F32)
        s = jnp.sum(jnp.exp(d * sc), axis=1, keepdims=True)
        dens = s * (1.0 / (2.5 * bw * n))
        out_ref[0, j * chunk:(j + 1) * chunk, 3:4] = 1.0 / dens


def _sigmoid(x):
    return 1.0 / (1.0 + jnp.exp(-x))


def _fps_sc_tile(x0v, x1v, x2v, distv, idxv, out_hbm, b, *, npoint, n):
    nch = n // 16
    iota16 = lax.iota(jnp.int32, 16)
    lane0 = iota16 == 0

    @plsc.parallel_loop(0, nch, unroll=8)
    def _init(j):
        distv[pl.ds(j * 16, 16)] = jnp.full((16,), 1e10, F32)

    def body(i, carry):
        far, c0, c1, c2, acc = carry
        accn = jnp.where(iota16 == i % 16, jnp.full((16,), far, jnp.int32),
                         acc)

        @pl.when(i % 16 == 15)
        def _flush():
            idxv[pl.ds(i - 15, 16)] = accn

        @plsc.parallel_loop(0, nch, unroll=8,
                            carry=(jnp.full((16,), -1.0, F32),
                                   jnp.zeros((16,), jnp.int32)))
        def chunk(j, ch):
            rv, ri = ch
            sl = pl.ds(j * 16, 16)
            t0 = x0v[sl] - c0
            t1 = x1v[sl] - c1
            t2 = x2v[sl] - c2
            d = t0 * t0 + t1 * t1 + t2 * t2
            dn = jnp.minimum(distv[sl], d)
            distv[sl] = dn
            upd = dn > rv
            return jnp.where(upd, dn, rv), jnp.where(upd, j * 16 + iota16, ri)

        rv, ri = chunk
        m = jnp.max(rv)
        far2 = jnp.min(jnp.where(rv == m, ri, n))
        base = (far2 // 16) * 16
        lm = iota16 == far2 - base
        n0 = jnp.sum(jnp.where(lm, x0v[pl.ds(base, 16)], 0.0))
        n1 = jnp.sum(jnp.where(lm, x1v[pl.ds(base, 16)], 0.0))
        n2 = jnp.sum(jnp.where(lm, x2v[pl.ds(base, 16)], 0.0))
        return far2, n0, n1, n2, accn

    h0 = x0v[pl.ds(0, 16)]
    h1 = x1v[pl.ds(0, 16)]
    h2 = x2v[pl.ds(0, 16)]
    i0 = jnp.sum(jnp.where(lane0, h0, 0.0))
    i1 = jnp.sum(jnp.where(lane0, h1, 0.0))
    i2 = jnp.sum(jnp.where(lane0, h2, 0.0))
    lax.fori_loop(0, npoint, body,
                  (jnp.int32(0), i0, i1, i2, jnp.zeros((16,), jnp.int32)))
    pltpu.sync_copy(idxv, out_hbm.at[pl.ds(b * npoint, npoint)])


def _sa_body(xt_ref, g_ref, fps_ref, m1wa_ref, m1wb_ref, m1b_ref,
             w1a_ref, w1ab_ref, w1b_ref, w1bb_ref, w1c_ref, w1cb_ref,
             d1a_ref, d1ab_ref, d1b_ref, d1bb_ref, d1c_ref, d1cb_ref,
             lp_ref, lpb_ref, eb_ref, fb_ref,
             m2w_ref, m2b_ref,
             w2a_ref, w2ab_ref, w2b_ref, w2bb_ref, w2c_ref, w2cb_ref,
             d2a_ref, d2ab_ref, d2b_ref, d2bb_ref, d2c_ref, d2cb_ref,
             lp2_ref, lpb2_ref, eb2_ref, fb2_ref, out_ref,
             *, n, s1, knb, bw2):
    XT = xt_ref[0]
    G = g_ref[0]
    fps = fps_ref[0]
    col = jax.lax.broadcasted_iota(jnp.int32, (s1, n), 1)

    ohf = (col == fps).astype(F32)
    NG = jnp.dot(ohf, G, preferred_element_type=F32)
    new_xyz = NG[:, 0:3]

    cn2 = jnp.sum(XT * XT, axis=0, keepdims=True)
    rn2 = jnp.sum(new_xyz * new_xyz, axis=1, keepdims=True)
    sq = (-2.0 * jnp.dot(new_xyz, XT, preferred_element_type=F32)
          + rn2 + cn2)

    iks = []
    d = sq
    for k in range(knb):
        val = jnp.min(d, axis=1, keepdims=True)
        ik = jnp.min(jnp.where(d == val, col, n), axis=1, keepdims=True)
        d = jnp.where(col == ik, 1e30, d)
        iks.append(ik)

    r = knb * s1
    ik_all = jnp.concatenate(iks, axis=0)
    col_all = jax.lax.broadcasted_iota(jnp.int32, (r, n), 1)
    OH = (col_all == ik_all).astype(F32)
    Gk = jnp.dot(OH, G, preferred_element_type=F32)
    nx_all = jnp.concatenate([new_xyz] * knb, axis=0)
    gxn = Gk[:, 0:3] - nx_all
    x = jnp.maximum(jnp.dot(gxn, m1wa_ref[:], preferred_element_type=F32)
                    + jnp.dot(Gk[:, 0:3], m1wb_ref[:],
                              preferred_element_type=F32)
                    + m1b_ref[:], 0.0)
    h = jnp.maximum(jnp.dot(gxn, w1a_ref[:], preferred_element_type=F32)
                    + w1ab_ref[:], 0.0)
    h = jnp.maximum(jnp.dot(h, w1b_ref[:], preferred_element_type=F32)
                    + w1bb_ref[:], 0.0)
    w = jnp.maximum(jnp.dot(h, w1c_ref[:], preferred_element_type=F32)
                    + w1cb_ref[:], 0.0)
    gd = Gk[:, 3:4]

    inv_max = gd[0:s1]
    for k in range(1, knb):
        inv_max = jnp.maximum(inv_max, gd[k * s1:(k + 1) * s1])
    ds0 = gd / jnp.concatenate([inv_max] * knb, axis=0)
    h = jnp.maximum(ds0 * d1a_ref[:] + d1ab_ref[:], 0.0)
    h = jnp.maximum(jnp.dot(h, d1b_ref[:], preferred_element_type=F32)
                    + d1bb_ref[:], 0.0)
    dsc = _sigmoid(jnp.dot(h, d1c_ref[:], preferred_element_type=F32)
                   + d1cb_ref[:])
    x = x * dsc

    Wt = jnp.dot(w, eb_ref[:], preferred_element_type=F32)
    Xt = jnp.dot(x, fb_ref[:], preferred_element_type=F32)
    yk = jnp.dot(Wt * Xt, lp_ref[:], preferred_element_type=F32)
    y = yk[0:s1]
    for k in range(1, knb):
        y = y + yk[k * s1:(k + 1) * s1]
    P = jnp.maximum(y + lpb_ref[:], 0.0)

    X = new_xyz
    nt = (((1,), (1,)), ((), ()))
    X2 = X * X
    rn2b = jnp.sum(X2, axis=1, keepdims=True)
    cn2b = jax.lax.dot_general(jnp.ones((1, 3), F32), X2, nt,
                               preferred_element_type=F32)
    sqb = (-2.0 * jax.lax.dot_general(X, X, nt, preferred_element_type=F32)
           + rn2b + cn2b)
    gb = jnp.exp(sqb * (-1.0 / (2.0 * bw2 * bw2))) * (1.0 / (2.5 * bw2))
    densb = jnp.sum(gb, axis=1, keepdims=True) * (1.0 / s1)
    invdb = 1.0 / densb
    inv_maxb = jnp.max(invdb)
    ds0b = invdb / inv_maxb
    hb = jnp.maximum(ds0b * d2a_ref[:] + d2ab_ref[:], 0.0)
    hb = jnp.maximum(jnp.dot(hb, d2b_ref[:], preferred_element_type=F32)
                     + d2bb_ref[:], 0.0)
    dscb = _sigmoid(jnp.dot(hb, d2c_ref[:], preferred_element_type=F32)
                    + d2cb_ref[:])

    xb = jnp.maximum(jnp.dot(X, m2w_ref[0:3], preferred_element_type=F32)
                     + jnp.dot(P, m2w_ref[3:67], preferred_element_type=F32)
                     + m2b_ref[:], 0.0)
    xb = xb * dscb
    hb = jnp.maximum(jnp.dot(X, w2a_ref[:], preferred_element_type=F32)
                     + w2ab_ref[:], 0.0)
    hb = jnp.maximum(jnp.dot(hb, w2b_ref[:], preferred_element_type=F32)
                     + w2bb_ref[:], 0.0)
    wb = jnp.maximum(jnp.dot(hb, w2c_ref[:], preferred_element_type=F32)
                     + w2cb_ref[:], 0.0)

    Wtb = jnp.dot(wb, eb2_ref[:], preferred_element_type=F32)
    Xtb = jnp.dot(xb, fb2_ref[:], preferred_element_type=F32)
    zsb = jnp.sum(Wtb * Xtb, axis=0, keepdims=True)
    yb = jnp.maximum(jnp.dot(zsb, lp2_ref[:], preferred_element_type=F32)
                     + lpb2_ref[:], 0.0)
    out_ref[0] = yb


def _full(shape):
    nd = len(shape)
    return pl.BlockSpec(shape, lambda b: (0,) * nd)


def kernel(xyz, params):
    xyz = xyz.astype(F32)
    xyz_t = jnp.swapaxes(xyz, 1, 2)
    p1, p2 = params['sa1'], params['sa2']

    m1w, m1b = _fold(p1['mlp'][0])
    w1a, w1ab = _fold(p1['weightnet'][0])
    w1b, w1bb = _fold(p1['weightnet'][1])
    w1c, w1cb = _fold(p1['weightnet'][2])
    d1a, d1ab = _fold(p1['density'][0])
    d1b, d1bb = _fold(p1['density'][1])
    d1c, d1cb = _fold(p1['density'][2])
    lp1, lpb1 = _perm_linear(p1['linear_w'], p1['bnl_g'], p1['bnl_b'],
                             p1['linear_b'], 64, 16)

    m2w, m2b = _fold(p2['mlp'][0])
    w2a, w2ab = _fold(p2['weightnet'][0])
    w2b, w2bb = _fold(p2['weightnet'][1])
    w2c, w2cb = _fold(p2['weightnet'][2])
    d2a, d2ab = _fold(p2['density'][0])
    d2b, d2bb = _fold(p2['density'][1])
    d2c, d2cb = _fold(p2['density'][2])
    lp2, lpb2 = _perm_linear(p2['linear_w'], p2['bnl_g'], p2['bnl_b'],
                             p2['linear_b'], 16, 16)

    G = pl.pallas_call(
        functools.partial(_density_body, bw=BW1, n=N),
        grid=(B,),
        in_specs=[pl.BlockSpec((1, 3, N), lambda b: (b, 0, 0)),
                  pl.BlockSpec((1, N, 3), lambda b: (b, 0, 0))],
        out_specs=pl.BlockSpec((1, N, 4), lambda b: (b, 0, 0)),
        out_shape=jax.ShapeDtypeStruct((B, N, 4), F32),
    )(xyz, xyz_t)

    mesh = plsc.VectorSubcoreMesh(core_axis_name="c", subcore_axis_name="s")

    @functools.partial(
        pl.kernel, mesh=mesh,
        out_type=jax.ShapeDtypeStruct((B * S1,), jnp.int32),
        scratch_types=[pltpu.VMEM((N,), F32)] * 4
                      + [pltpu.VMEM((S1,), jnp.int32)],
        compiler_params=pltpu.CompilerParams(needs_layout_passes=False),
    )
    def _fps_sc(xyz_hbm, out_hbm, x0v, x1v, x2v, distv, idxv):
        wid = lax.axis_index("s") * 2 + lax.axis_index("c")

        @pl.when(wid < B)
        def _():
            pltpu.sync_copy(xyz_hbm.at[pl.ds((wid * 3 + 0) * N, N)], x0v)
            pltpu.sync_copy(xyz_hbm.at[pl.ds((wid * 3 + 1) * N, N)], x1v)
            pltpu.sync_copy(xyz_hbm.at[pl.ds((wid * 3 + 2) * N, N)], x2v)
            _fps_sc_tile(x0v, x1v, x2v, distv, idxv, out_hbm, wid,
                         npoint=S1, n=N)

    fps = _fps_sc(xyz.reshape(B * 3 * N)).reshape(B, S1, 1)

    o16 = jnp.arange(16, dtype=jnp.int32)
    E1 = (o16[:, None] == (jnp.arange(1024, dtype=jnp.int32) // 64)[None, :]
          ).astype(F32)
    F1 = (jnp.arange(64, dtype=jnp.int32)[:, None]
          == (jnp.arange(1024, dtype=jnp.int32) % 64)[None, :]).astype(F32)
    E2 = (o16[:, None] == (jnp.arange(256, dtype=jnp.int32) // 16)[None, :]
          ).astype(F32)
    F2 = (o16[:, None] == (jnp.arange(256, dtype=jnp.int32) % 16)[None, :]
          ).astype(F32)
    wargs = [m1w[0:3], m1w[3:6], m1b, w1a, w1ab, w1b, w1bb, w1c, w1cb,
             d1a, d1ab, d1b, d1bb, d1c, d1cb, lp1, lpb1, E1, F1,
             m2w, m2b, w2a, w2ab, w2b, w2bb, w2c, w2cb,
             d2a, d2ab, d2b, d2bb, d2c, d2cb, lp2, lpb2, E2, F2]
    out = pl.pallas_call(
        functools.partial(_sa_body, n=N, s1=S1, knb=K1NB, bw2=BW2),
        grid=(B,),
        in_specs=[pl.BlockSpec((1, 3, N), lambda b: (b, 0, 0)),
                  pl.BlockSpec((1, N, 4), lambda b: (b, 0, 0)),
                  pl.BlockSpec((1, S1, 1), lambda b: (b, 0, 0))]
                 + [_full(w.shape) for w in wargs],
        out_specs=pl.BlockSpec((1, 1, 16), lambda b: (b, 0, 0)),
        out_shape=jax.ShapeDtypeStruct((B, 1, 16), F32),
    )(xyz, G, fps, *wargs)

    return out.reshape(B, 16)

# --- scband reference (transcript-rebuilt; emitter-appended) ---
"""Pipeline reference for scband-point-conv-planar-11708080849163 (READ-ONLY COPY).

The authoritative reference and input builder live on the scoring server;
editing this copy changes nothing except your own understanding.
"""

import jax, jax.numpy as jnp
import numpy as np

B = 8
N = 2048
NPOINT1 = 128
NSAMPLE1 = 8
BW1 = 0.1
BW2 = 0.2

def square_distance(src, dst):
    d = -2.0 * jnp.matmul(src, jnp.swapaxes(dst, 1, 2))
    d = d + jnp.sum(src ** 2, -1)[:, :, None]
    d = d + jnp.sum(dst ** 2, -1)[:, None, :]
    return d

def index_points(points, idx):
    return jax.vmap(lambda p, i: p[i])(points, idx)

def farthest_point_sample(xyz, npoint):
    b, n, _ = xyz.shape
    def body(i, state):
        cent, dist, far = state
        cent = cent.at[:, i].set(far)
        c = index_points(xyz, far[:, None])
        d = jnp.sum((xyz - c) ** 2, -1)
        dist = jnp.minimum(dist, d)
        far = jnp.argmax(dist, axis=-1).astype(jnp.int32)
        return (cent, dist, far)
    init = (jnp.zeros((b, npoint), jnp.int32), jnp.full((b, n), 1e10, xyz.dtype), jnp.zeros((b,), jnp.int32))
    cent, _, _ = jax.lax.fori_loop(0, npoint, body, init)
    return cent

def knn_point(nsample, xyz, new_xyz):
    sq = square_distance(new_xyz, xyz)
    _, idx = jax.lax.top_k(-sq, nsample)
    return idx

def compute_density(xyz, bw):
    sq = square_distance(xyz, xyz)
    g = jnp.exp(-sq / (2.0 * bw * bw)) / (2.5 * bw)
    return jnp.mean(g, axis=-1)

def conv_bn(x, L):
    y = jnp.einsum('bchw,oc->bohw', x, L['w']) + L['b'][None, :, None, None]
    return y * L['g'][None, :, None, None] + L['bt'][None, :, None, None]

def mlp_block(x, layers, last_sigmoid=False):
    n = len(layers)
    for i, L in enumerate(layers):
        x = conv_bn(x, L)
        x = jax.nn.sigmoid(x) if (last_sigmoid and i == n - 1) else jax.nn.relu(x)
    return x

def pointconv_sa(p, xyz, points, npoint, nsample, bw, group_all):
    b = xyz.shape[0]
    n = xyz.shape[2]
    xyz_t = jnp.swapaxes(xyz, 1, 2)
    pts_t = jnp.swapaxes(points, 1, 2)
    density = compute_density(xyz_t, bw)
    inv_density = (1.0 / density)[:, :, None]
    if group_all:
        S = 1
        new_xyz = jnp.zeros((b, 1, 3), xyz.dtype)
        grouped_xyz_norm = xyz_t[:, None, :, :]
        new_points = jnp.concatenate([grouped_xyz_norm, pts_t[:, None, :, :]], axis=-1)
        grouped_density = inv_density.reshape(b, 1, n, 1)
    else:
        S = npoint
        fps_idx = farthest_point_sample(jax.lax.stop_gradient(xyz_t), npoint)
        new_xyz = index_points(xyz_t, fps_idx)
        idx = knn_point(nsample, jax.lax.stop_gradient(xyz_t), jax.lax.stop_gradient(new_xyz))
        grouped_xyz = index_points(xyz_t, idx)
        grouped_xyz_norm = grouped_xyz - new_xyz[:, :, None, :]
        grouped_points = index_points(pts_t, idx)
        new_points = jnp.concatenate([grouped_xyz_norm, grouped_points], axis=-1)
        grouped_density = index_points(inv_density, idx)
    x = jnp.transpose(new_points, (0, 3, 2, 1))
    x = mlp_block(x, p['mlp'])
    inv_max = jnp.max(grouped_density, axis=2, keepdims=True)
    dscale = grouped_density / inv_max
    dscale = mlp_block(jnp.transpose(dscale, (0, 3, 2, 1)), p['density'], last_sigmoid=True)
    x = x * dscale
    gx = jnp.transpose(grouped_xyz_norm, (0, 3, 2, 1))
    w = mlp_block(gx, p['weightnet'])
    out = jnp.matmul(jnp.transpose(x, (0, 3, 1, 2)), jnp.transpose(w, (0, 3, 2, 1)))
    out = out.reshape(b, S, -1)
    out = out @ p['linear_w'].T + p['linear_b']
    out = jnp.swapaxes(out, 1, 2)
    out = out * p['bnl_g'][None, :, None] + p['bnl_b'][None, :, None]
    out = jax.nn.relu(out)
    return jnp.swapaxes(new_xyz, 1, 2), out

def pointconv_forward(params, xyz):
    b = xyz.shape[0]
    l1_xyz, l1_points = pointconv_sa(params['sa1'], xyz, xyz, NPOINT1, NSAMPLE1, BW1, False)
    l2_xyz, l2_points = pointconv_sa(params['sa2'], l1_xyz, l1_points, 1, None, BW2, True)
    return l2_points.reshape(b, 16)

def init_params(key):
    ks = iter([jax.random.fold_in(key, i) for i in range(64)])
    def layer(cin, cout):
        return {'w': 0.1 * jax.random.normal(next(ks), (cout, cin), jnp.float32),
                'b': jnp.zeros((cout,), jnp.float32),
                'g': jnp.ones((cout,), jnp.float32),
                'bt': jnp.zeros((cout,), jnp.float32)}
    def sa(cin, cout):
        return {'mlp': [layer(cin, cout)],
                'weightnet': [layer(3, 8), layer(8, 8), layer(8, 16)],
                'density': [layer(1, 16), layer(16, 8), layer(8, 1)],
                'linear_w': 0.05 * jax.random.normal(next(ks), (cout, 16 * cout), jnp.float32),
                'linear_b': jnp.zeros((cout,), jnp.float32),
                'bnl_g': jnp.ones((cout,), jnp.float32),
                'bnl_b': jnp.zeros((cout,), jnp.float32)}
    return {'sa1': sa(6, 64), 'sa2': sa(67, 16)}

def setup_inputs(seed: int = 0):
    key = jax.random.key(seed)
    xyz = jax.random.normal(jax.random.fold_in(key, 1), (B, 3, N), jnp.float32)
    params = init_params(jax.random.fold_in(key, 2))
    return {'xyz': xyz, 'params': params}

def reference(xyz, params):
    return pointconv_forward(params, xyz)

if __name__ == "__main__":
    import jax
    _d = setup_inputs()
    print(jax.jit(kernel)(*tuple(_d.values())))

</pallas_src>

<mosaic_0001>
#map = affine_map<(d0, d1) -> (0)>
module attributes {stable_mosaic.version = 14 : i64} {
  func.func @_fps_sc(%arg0: i32, %arg1: i32, %arg2: memref<49152xf32, #tpu.memory_space<hbm>>, %arg3: memref<1024xi32, #tpu.memory_space<hbm>>, %arg4: memref<2048xf32, #tpu.memory_space<vmem>>, %arg5: memref<2048xf32, #tpu.memory_space<vmem>>, %arg6: memref<2048xf32, #tpu.memory_space<vmem>>, %arg7: memref<2048xf32, #tpu.memory_space<vmem>>, %arg8: memref<128xi32, #tpu.memory_space<vmem>>) attributes {dimension_semantics = [#tpu.dimension_semantics<core_parallel>, #tpu.dimension_semantics<subcore_parallel>], iteration_bounds = array<i64: 2, 16>, scalar_prefetch = 0 : i64, scratch_operands = 5 : i64, tpu.core_type = #tpu.core_type<sc_vector_subcore>, window_params = [{transform_indices = #map}, {transform_indices = #map}]} {
    %mul3A = arith.constant 2 : i32
    %mul3A_0 = arith.muli %arg1, %mul3A : i32
    %add3A = arith.addi %mul3A_0, %arg0 : i32
    %lt3A = arith.constant 8 : i32
    %lt3A_1 = arith.cmpi slt, %add3A, %lt3A : i32
    %convert_element_type3A = arith.extui %lt3A_1 : i1 to i32
    %cond3A = arith.constant 0 : i32
    %cond3A_2 = arith.cmpi ne, %convert_element_type3A, %cond3A : i32
    scf.if %cond3A_2 {
      %mul3A_3 = arith.constant 3 : i32
      %mul3A_4 = arith.muli %add3A, %mul3A_3 : i32
      %add3A_5 = arith.constant 0 : i32
      %add3A_6 = arith.addi %mul3A_4, %add3A_5 : i32
      %mul3A_7 = arith.constant 2048 : i32
      %mul3A_8 = arith.muli %add3A_6, %mul3A_7 : i32
      "tpu.region"() ({
        %run_scoped3A = tpu.sem_alloc : memref<!tpu.dma_semaphore, #tpu.memory_space<semaphore_mem>>
        %dma_start3A = tpu.memref_slice %arg2[%mul3A_8] : memref<49152xf32, #tpu.memory_space<hbm>> -> memref<2048xf32, #tpu.memory_space<hbm>>
        %dma_start3A_57 = tpu.memref_slice %arg2[%mul3A_8] : memref<49152xf32, #tpu.memory_space<hbm>> -> memref<2048xf32, #tpu.memory_space<hbm>>
        tpu.enqueue_dma source(%dma_start3A_57 : memref<2048xf32, #tpu.memory_space<hbm>>) target(%arg4 : memref<2048xf32, #tpu.memory_space<vmem>>) target_semaphore(%run_scoped3A : memref<!tpu.dma_semaphore, #tpu.memory_space<semaphore_mem>>)
        %dma_wait3A = tpu.memref_slice %arg2[%mul3A_8] : memref<49152xf32, #tpu.memory_space<hbm>> -> memref<2048xf32, #tpu.memory_space<hbm>>
        %dma_wait3A_58 = tpu.memref_slice %arg2[%mul3A_8] : memref<49152xf32, #tpu.memory_space<hbm>> -> memref<2048xf32, #tpu.memory_space<hbm>>
        tpu.wait_dma2 semaphore(%run_scoped3A : memref<!tpu.dma_semaphore, #tpu.memory_space<semaphore_mem>>) src(%dma_wait3A_58 : memref<2048xf32, #tpu.memory_space<hbm>>) dst(%arg4 : memref<2048xf32, #tpu.memory_space<vmem>>)
        tpu.yield
      }) : () -> ()
      %mul3A_9 = arith.constant 3 : i32
      %mul3A_10 = arith.muli %add3A, %mul3A_9 : i32
      %add3A_11 = arith.constant 1 : i32
      %add3A_12 = arith.addi %mul3A_10, %add3A_11 : i32
      %mul3A_13 = arith.constant 2048 : i32
      %mul3A_14 = arith.muli %add3A_12, %mul3A_13 : i32
      "tpu.region"() ({
        %run_scoped3A = tpu.sem_alloc : memref<!tpu.dma_semaphore, #tpu.memory_space<semaphore_mem>>
        %dma_start3A = tpu.memref_slice %arg2[%mul3A_14] : memref<49152xf32, #tpu.memory_space<hbm>> -> memref<2048xf32, #tpu.memory_space<hbm>>
        %dma_start3A_57 = tpu.memref_slice %arg2[%mul3A_14] : memref<49152xf32, #tpu.memory_space<hbm>> -> memref<2048xf32, #tpu.memory_space<hbm>>
        tpu.enqueue_dma source(%dma_start3A_57 : memref<2048xf32, #tpu.memory_space<hbm>>) target(%arg5 : memref<2048xf32, #tpu.memory_space<vmem>>) target_semaphore(%run_scoped3A : memref<!tpu.dma_semaphore, #tpu.memory_space<semaphore_mem>>)
        %dma_wait3A = tpu.memref_slice %arg2[%mul3A_14] : memref<49152xf32, #tpu.memory_space<hbm>> -> memref<2048xf32, #tpu.memory_space<hbm>>
        %dma_wait3A_58 = tpu.memref_slice %arg2[%mul3A_14] : memref<49152xf32, #tpu.memory_space<hbm>> -> memref<2048xf32, #tpu.memory_space<hbm>>
        tpu.wait_dma2 semaphore(%run_scoped3A : memref<!tpu.dma_semaphore, #tpu.memory_space<semaphore_mem>>) src(%dma_wait3A_58 : memref<2048xf32, #tpu.memory_space<hbm>>) dst(%arg5 : memref<2048xf32, #tpu.memory_space<vmem>>)
        tpu.yield
      }) : () -> ()
      %mul3A_15 = arith.constant 3 : i32
      %mul3A_16 = arith.muli %add3A, %mul3A_15 : i32
      %add3A_17 = arith.constant 2 : i32
      %add3A_18 = arith.addi %mul3A_16, %add3A_17 : i32
      %mul3A_19 = arith.constant 2048 : i32
      %mul3A_20 = arith.muli %add3A_18, %mul3A_19 : i32
      "tpu.region"() ({
        %run_scoped3A = tpu.sem_alloc : memref<!tpu.dma_semaphore, #tpu.memory_space<semaphore_mem>>
        %dma_start3A = tpu.memref_slice %arg2[%mul3A_20] : memref<49152xf32, #tpu.memory_space<hbm>> -> memref<2048xf32, #tpu.memory_space<hbm>>
        %dma_start3A_57 = tpu.memref_slice %arg2[%mul3A_20] : memref<49152xf32, #tpu.memory_space<hbm>> -> memref<2048xf32, #tpu.memory_space<hbm>>
        tpu.enqueue_dma source(%dma_start3A_57 : memref<2048xf32, #tpu.memory_space<hbm>>) target(%arg6 : memref<2048xf32, #tpu.memory_space<vmem>>) target_semaphore(%run_scoped3A : memref<!tpu.dma_semaphore, #tpu.memory_space<semaphore_mem>>)
        %dma_wait3A = tpu.memref_slice %arg2[%mul3A_20] : memref<49152xf32, #tpu.memory_space<hbm>> -> memref<2048xf32, #tpu.memory_space<hbm>>
        %dma_wait3A_58 = tpu.memref_slice %arg2[%mul3A_20] : memref<49152xf32, #tpu.memory_space<hbm>> -> memref<2048xf32, #tpu.memory_space<hbm>>
        tpu.wait_dma2 semaphore(%run_scoped3A : memref<!tpu.dma_semaphore, #tpu.memory_space<semaphore_mem>>) src(%dma_wait3A_58 : memref<2048xf32, #tpu.memory_space<hbm>>) dst(%arg6 : memref<2048xf32, #tpu.memory_space<vmem>>)
        tpu.yield
      }) : () -> ()
      %iota3A = tpu.iota {dimensions = array<i32: 0>} : vector<16xi32>
      %eq3A = arith.constant 0 : i32
      %eq3A_21 = vector.broadcast %eq3A : i32 to vector<16xi32>
      %eq3A_22 = arith.cmpi eq, %iota3A, %eq3A_21 : vector<16xi32>
      %parallel_loop3A = arith.constant 0 : i32
      %parallel_loop3A_23 = arith.constant 128 : i32
      %parallel_loop3A_24 = arith.constant 1 : i32
      scf.for %parallel_loop3A_57 = %parallel_loop3A to %parallel_loop3A_23 step %parallel_loop3A_24  : i32 {
        %parallel_loop3A_58 = arith.constant 1.000000e+10 : f32
        %parallel_loop3A_59 = vector.broadcast %parallel_loop3A_58 : f32 to vector<16xf32>
        %parallel_loop3A_60 = arith.constant 16 : i32
        %parallel_loop3A_61 = arith.muli %parallel_loop3A_57, %parallel_loop3A_60 : i32
        %parallel_loop3A_62 = arith.index_cast %parallel_loop3A_61 : i32 to index
        %parallel_loop3A_63 = tpu.vector_load %arg7[%parallel_loop3A_62] {strides = array<i32>} : memref<2048xf32, #tpu.memory_space<vmem>>, vector<16xf32>,
        tpu.vector_store %arg7[%parallel_loop3A_62], %parallel_loop3A_59 {strides = array<i32>} : memref<2048xf32, #tpu.memory_space<vmem>>, vector<16xf32>,
      } {sc.loop_unroll_factor = 8 : i64, sc.parallel_access}
      %get3A = arith.constant 0 : index
      %get3A_25 = tpu.vector_load %arg4[%get3A] {strides = array<i32>} : memref<2048xf32, #tpu.memory_space<vmem>>, vector<16xf32>,
      %get3A_26 = arith.constant 0 : index
      %get3A_27 = tpu.vector_load %arg5[%get3A_26] {strides = array<i32>} : memref<2048xf32, #tpu.memory_space<vmem>>, vector<16xf32>,
      %get3A_28 = arith.constant 0 : index
      %get3A_29 = tpu.vector_load %arg6[%get3A_28] {strides = array<i32>} : memref<2048xf32, #tpu.memory_space<vmem>>, vector<16xf32>,
      %jit3A = arith.constant 0.000000e+00 : f32
      %broadcast_in_dim3A = vector.broadcast %jit3A : f32 to vector<16xf32>
      %select_n3A = arith.select %eq3A_22, %get3A_25, %broadcast_in_dim3A : vector<16xi1>, vector<16xf32>
      %reduce_sum3A = arith.constant true
      %reduce_sum3A_30 = vector.broadcast %reduce_sum3A : i1 to vector<16xi1>
      %reduce_sum3A_31 = tpu.scan <sum>, %select_n3A masked %reduce_sum3A_30 : vector<16xf32>, vector<16xi1> -> vector<16xf32>
      %reduce_sum3A_32 = vector.extract %reduce_sum3A_31[15] : f32 from vector<16xf32>
      %jit3A_33 = arith.constant 0.000000e+00 : f32
      %broadcast_in_dim3A_34 = vector.broadcast %jit3A_33 : f32 to vector<16xf32>
      %select_n3A_35 = arith.select %eq3A_22, %get3A_27, %broadcast_in_dim3A_34 : vector<16xi1>, vector<16xf32>
      %reduce_sum3A_36 = arith.constant true
      %reduce_sum3A_37 = vector.broadcast %reduce_sum3A_36 : i1 to vector<16xi1>
      %reduce_sum3A_38 = tpu.scan <sum>, %select_n3A_35 masked %reduce_sum3A_37 : vector<16xf32>, vector<16xi1> -> vector<16xf32>
      %reduce_sum3A_39 = vector.extract %reduce_sum3A_38[15] : f32 from vector<16xf32>
      %jit3A_40 = arith.constant 0.000000e+00 : f32
      %broadcast_in_dim3A_41 = vector.broadcast %jit3A_40 : f32 to vector<16xf32>
      %select_n3A_42 = arith.select %eq3A_22, %get3A_29, %broadcast_in_dim3A_41 : vector<16xi1>, vector<16xf32>
      %reduce_sum3A_43 = arith.constant true
      %reduce_sum3A_44 = vector.broadcast %reduce_sum3A_43 : i1 to vector<16xi1>
      %reduce_sum3A_45 = tpu.scan <sum>, %select_n3A_42 masked %reduce_sum3A_44 : vector<16xf32>, vector<16xi1> -> vector<16xf32>
      %reduce_sum3A_46 = vector.extract %reduce_sum3A_45[15] : f32 from vector<16xf32>
      %broadcast_in_dim3A_47 = arith.constant 0 : i32
      %broadcast_in_dim3A_48 = vector.broadcast %broadcast_in_dim3A_47 : i32 to vector<16xi32>
      %scan3A = arith.constant 0 : i32
      %scan3A_49 = arith.constant 0 : i32
      %scan3A_50 = arith.constant 128 : i32
      %scan3A_51 = arith.addi %scan3A_49, %scan3A_50 : i32
      %scan3A_52 = arith.constant 1 : i32
      %scan3A_53:5 = scf.for %scan3A_57 = %scan3A_49 to %scan3A_51 step %scan3A_52 iter_args(%scan3A_58 = %scan3A, %scan3A_59 = %reduce_sum3A_32, %scan3A_60 = %reduce_sum3A_39, %scan3A_61 = %reduce_sum3A_46, %scan3A_62 = %broadcast_in_dim3A_48) -> (i32, f32, f32, f32, vector<16xi32>)  : i32 {
        %jit3A_63 = arith.constant 16 : i32
        %eq3A_64 = arith.constant 0 : i32
        %eq3A_65 = arith.cmpi eq, %jit3A_63, %eq3A_64 : i32
        %jit3A_66 = arith.constant 1 : i32
        %select_n3A_67 = arith.select %eq3A_65, %jit3A_66, %jit3A_63 : i32
        %rem3A = arith.remsi %scan3A_57, %select_n3A_67 : i32
        %ne3A = arith.constant 0 : i32
        %ne3A_68 = arith.cmpi ne, %rem3A, %ne3A : i32
        %lt3A_69 = arith.constant 0 : i32
        %lt3A_70 = arith.cmpi slt, %rem3A, %lt3A_69 : i32
        %lt3A_71 = arith.constant 0 : i32
        %lt3A_72 = arith.cmpi slt, %select_n3A_67, %lt3A_71 : i32
        %ne3A_73 = arith.xori %lt3A_70, %lt3A_72 : i1
        %and3A = arith.andi %ne3A_73, %ne3A_68 : i1
        %add3A_74 = arith.addi %rem3A, %select_n3A_67 : i32
        %select_n3A_75 = arith.select %and3A, %add3A_74, %rem3A : i32
        %eq3A_76 = vector.broadcast %select_n3A_75 : i32 to vector<16xi32>
        %eq3A_77 = arith.cmpi eq, %iota3A, %eq3A_76 : vector<16xi32>
        %broadcast_in_dim3A_78 = vector.broadcast %scan3A_58 : i32 to vector<16xi32>
        %select_n3A_79 = arith.select %eq3A_77, %broadcast_in_dim3A_78, %scan3A_62 : vector<16xi1>, vector<16xi32>
        %jit3A_80 = arith.constant 16 : i32
        %eq3A_81 = arith.constant 0 : i32
        %eq3A_82 = arith.cmpi eq, %jit3A_80, %eq3A_81 : i32
        %jit3A_83 = arith.constant 1 : i32
        %select_n3A_84 = arith.select %eq3A_82, %jit3A_83, %jit3A_80 : i32
        %rem3A_85 = arith.remsi %scan3A_57, %select_n3A_84 : i32
        %ne3A_86 = arith.constant 0 : i32
        %ne3A_87 = arith.cmpi ne, %rem3A_85, %ne3A_86 : i32
        %lt3A_88 = arith.constant 0 : i32
        %lt3A_89 = arith.cmpi slt, %rem3A_85, %lt3A_88 : i32
        %lt3A_90 = arith.constant 0 : i32
        %lt3A_91 = arith.cmpi slt, %select_n3A_84, %lt3A_90 : i32
        %ne3A_92 = arith.xori %lt3A_89, %lt3A_91 : i1
        %and3A_93 = arith.andi %ne3A_92, %ne3A_87 : i1
        %add3A_94 = arith.addi %rem3A_85, %select_n3A_84 : i32
        %select_n3A_95 = arith.select %and3A_93, %add3A_94, %rem3A_85 : i32
        %eq3A_96 = arith.constant 15 : i32
        %eq3A_97 = arith.cmpi eq, %select_n3A_95, %eq3A_96 : i32
        %convert_element_type3A_98 = arith.extui %eq3A_97 : i1 to i32
        %cond3A_99 = arith.constant 0 : i32
        %cond3A_100 = arith.cmpi ne, %convert_element_type3A_98, %cond3A_99 : i32
        scf.if %cond3A_100 {
          %sub3A_177 = arith.constant 15 : i32
          %sub3A_178 = arith.subi %scan3A_57, %sub3A_177 : i32
          %swap3A = arith.index_cast %sub3A_178 : i32 to index
          %swap3A_179 = tpu.vector_load %arg8[%swap3A] {strides = array<i32>} : memref<128xi32, #tpu.memory_space<vmem>>, vector<16xi32>,
          tpu.vector_store %arg8[%swap3A], %select_n3A_79 {strides = array<i32>} : memref<128xi32, #tpu.memory_space<vmem>>, vector<16xi32>,
        } else {
        }
        %broadcast_in_dim3A_101 = arith.constant -1.000000e+00 : f32
        %broadcast_in_dim3A_102 = vector.broadcast %broadcast_in_dim3A_101 : f32 to vector<16xf32>
        %broadcast_in_dim3A_103 = arith.constant 0 : i32
        %broadcast_in_dim3A_104 = vector.broadcast %broadcast_in_dim3A_103 : i32 to vector<16xi32>
        %parallel_loop3A_105 = arith.constant 0 : i32
        %parallel_loop3A_106 = arith.constant 128 : i32
        %parallel_loop3A_107 = arith.constant 1 : i32
        %parallel_loop3A_108:2 = scf.for %parallel_loop3A_177 = %parallel_loop3A_105 to %parallel_loop3A_106 step %parallel_loop3A_107 iter_args(%parallel_loop3A_178 = %broadcast_in_dim3A_102, %parallel_loop3A_179 = %broadcast_in_dim3A_104) -> (vector<16xf32>, vector<16xi32>)  : i32 {
          %parallel_loop3A_180 = arith.constant 16 : i32
          %parallel_loop3A_181 = arith.muli %parallel_loop3A_177, %parallel_loop3A_180 : i32
          %parallel_loop3A_182 = arith.index_cast %parallel_loop3A_181 : i32 to index
          %parallel_loop3A_183 = tpu.vector_load %arg4[%parallel_loop3A_182] {strides = array<i32>} : memref<2048xf32, #tpu.memory_space<vmem>>, vector<16xf32>,
          %parallel_loop3A_184 = vector.broadcast %scan3A_59 : f32 to vector<16xf32>
          %parallel_loop3A_185 = arith.subf %parallel_loop3A_183, %parallel_loop3A_184 : vector<16xf32>
          %parallel_loop3A_186 = arith.index_cast %parallel_loop3A_181 : i32 to index
          %parallel_loop3A_187 = tpu.vector_load %arg5[%parallel_loop3A_186] {strides = array<i32>} : memref<2048xf32, #tpu.memory_space<vmem>>, vector<16xf32>,
          %parallel_loop3A_188 = vector.broadcast %scan3A_60 : f32 to vector<16xf32>
          %parallel_loop3A_189 = arith.subf %parallel_loop3A_187, %parallel_loop3A_188 : vector<16xf32>
          %parallel_loop3A_190 = arith.index_cast %parallel_loop3A_181 : i32 to index
          %parallel_loop3A_191 = tpu.vector_load %arg6[%parallel_loop3A_190] {strides = array<i32>} : memref<2048xf32, #tpu.memory_space<vmem>>, vector<16xf32>,
          %parallel_loop3A_192 = vector.broadcast %scan3A_61 : f32 to vector<16xf32>
          %parallel_loop3A_193 = arith.subf %parallel_loop3A_191, %parallel_loop3A_192 : vector<16xf32>
          %parallel_loop3A_194 = arith.mulf %parallel_loop3A_185, %parallel_loop3A_185 : vector<16xf32>
          %parallel_loop3A_195 = arith.mulf %parallel_loop3A_189, %parallel_loop3A_189 : vector<16xf32>
          %parallel_loop3A_196 = arith.addf %parallel_loop3A_194, %parallel_loop3A_195 : vector<16xf32>
          %parallel_loop3A_197 = arith.mulf %parallel_loop3A_193, %parallel_loop3A_193 : vector<16xf32>
          %parallel_loop3A_198 = arith.addf %parallel_loop3A_196, %parallel_loop3A_197 : vector<16xf32>
          %parallel_loop3A_199 = arith.index_cast %parallel_loop3A_181 : i32 to index
          %parallel_loop3A_200 = tpu.vector_load %arg7[%parallel_loop3A_199] {strides = array<i32>} : memref<2048xf32, #tpu.memory_space<vmem>>, vector<16xf32>,
          %parallel_loop3A_201 = arith.minimumf %parallel_loop3A_200, %parallel_loop3A_198 : vector<16xf32>
          %parallel_loop3A_202 = arith.index_cast %parallel_loop3A_181 : i32 to index
          %parallel_loop3A_203 = tpu.vector_load %arg7[%parallel_loop3A_202] {strides = array<i32>} : memref<2048xf32, #tpu.memory_space<vmem>>, vector<16xf32>,
          tpu.vector_store %arg7[%parallel_loop3A_202], %parallel_loop3A_201 {strides = array<i32>} : memref<2048xf32, #tpu.memory_space<vmem>>, vector<16xf32>,
          %parallel_loop3A_204 = arith.cmpf ogt, %parallel_loop3A_201, %parallel_loop3A_178 : vector<16xf32>
          %parallel_loop3A_205 = arith.select %parallel_loop3A_204, %parallel_loop3A_201, %parallel_loop3A_178 : vector<16xi1>, vector<16xf32>
          %parallel_loop3A_206 = arith.constant 16 : i32
          %parallel_loop3A_207 = arith.muli %parallel_loop3A_177, %parallel_loop3A_206 : i32
          %parallel_loop3A_208 = vector.broadcast %parallel_loop3A_207 : i32 to vector<16xi32>
          %parallel_loop3A_209 = arith.addi %parallel_loop3A_208, %iota3A : vector<16xi32>
          %parallel_loop3A_210 = arith.select %parallel_loop3A_204, %parallel_loop3A_209, %parallel_loop3A_179 : vector<16xi1>, vector<16xi32>
          scf.yield %parallel_loop3A_205, %parallel_loop3A_210 : vector<16xf32>, vector<16xi32>
        } {sc.loop_unroll_factor = 8 : i64, sc.parallel_access}
        %reduce_max3A = arith.constant true
        %reduce_max3A_109 = vector.broadcast %reduce_max3A : i1 to vector<16xi1>
        %reduce_max3A_110 = tpu.scan <max>, %parallel_loop3A_108#0 masked %reduce_max3A_109 : vector<16xf32>, vector<16xi1> -> vector<16xf32>
        %reduce_max3A_111 = vector.extract %reduce_max3A_110[15] : f32 from vector<16xf32>
        %eq3A_112 = vector.broadcast %reduce_max3A_111 : f32 to vector<16xf32>
        %eq3A_113 = arith.cmpf oeq, %parallel_loop3A_108#0, %eq3A_112 : vector<16xf32>
        %jit3A_114 = arith.constant 2048 : i32
        %broadcast_in_dim3A_115 = vector.broadcast %jit3A_114 : i32 to vector<16xi32>
        %select_n3A_116 = arith.select %eq3A_113, %parallel_loop3A_108#1, %broadcast_in_dim3A_115 : vector<16xi1>, vector<16xi32>
        %reduce_min3A = arith.constant true
        %reduce_min3A_117 = vector.broadcast %reduce_min3A : i1 to vector<16xi1>
        %reduce_min3A_118 = arith.constant -2147483648 : i32
        %reduce_min3A_119 = vector.broadcast %reduce_min3A_118 : i32 to vector<16xi32>
        %reduce_min3A_120 = arith.xori %select_n3A_116, %reduce_min3A_119 : vector<16xi32>
        %reduce_min3A_121 = tpu.scan <min>, %reduce_min3A_120 masked %reduce_min3A_117 : vector<16xi32>, vector<16xi1> -> vector<16xi32>
        %reduce_min3A_122 = arith.xori %reduce_min3A_121, %reduce_min3A_119 : vector<16xi32>
        %reduce_min3A_123 = vector.extract %reduce_min3A_122[15] : i32 from vector<16xi32>
        %jit3A_124 = arith.constant 16 : i32
        %div3A = arith.divsi %reduce_min3A_123, %jit3A_124 : i32
        %sign3A = arith.constant 0 : i32
        %sign3A_125 = arith.cmpi sgt, %reduce_min3A_123, %sign3A : i32
        %sign3A_126 = arith.extui %sign3A_125 : i1 to i32
        %sign3A_127 = arith.constant 0 : i32
        %sign3A_128 = arith.cmpi slt, %reduce_min3A_123, %sign3A_127 : i32
        %sign3A_129 = arith.extui %sign3A_128 : i1 to i32
        %sign3A_130 = arith.subi %sign3A_126, %sign3A_129 : i32
        %sign3A_131 = arith.constant 0 : i32
        %sign3A_132 = arith.cmpi sgt, %jit3A_124, %sign3A_131 : i32
        %sign3A_133 = arith.extui %sign3A_132 : i1 to i32
        %sign3A_134 = arith.constant 0 : i32
        %sign3A_135 = arith.cmpi slt, %jit3A_124, %sign3A_134 : i32
        %sign3A_136 = arith.extui %sign3A_135 : i1 to i32
        %sign3A_137 = arith.subi %sign3A_133, %sign3A_136 : i32
        %ne3A_138 = arith.cmpi ne, %sign3A_130, %sign3A_137 : i32
        %rem3A_139 = arith.remsi %reduce_min3A_123, %jit3A_124 : i32
        %ne3A_140 = arith.constant 0 : i32
        %ne3A_141 = arith.cmpi ne, %rem3A_139, %ne3A_140 : i32
        %and3A_142 = arith.andi %ne3A_138, %ne3A_141 : i1
        %sub3A = arith.constant 1 : i32
        %sub3A_143 = arith.subi %div3A, %sub3A : i32
        %select_n3A_144 = arith.select %and3A_142, %sub3A_143, %div3A : i32
        %mul3A_145 = arith.constant 16 : i32
        %mul3A_146 = arith.muli %select_n3A_144, %mul3A_145 : i32
        %sub3A_147 = arith.subi %reduce_min3A_123, %mul3A_146 : i32
        %eq3A_148 = vector.broadcast %sub3A_147 : i32 to vector<16xi32>
        %eq3A_149 = arith.cmpi eq, %iota3A, %eq3A_148 : vector<16xi32>
        %get3A_150 = arith.index_cast %mul3A_146 : i32 to index
        %get3A_151 = tpu.vector_load %arg4[%get3A_150] {strides = array<i32>} : memref<2048xf32, #tpu.memory_space<vmem>>, vector<16xf32>,
        %jit3A_152 = arith.constant 0.000000e+00 : f32
        %broadcast_in_dim3A_153 = vector.broadcast %jit3A_152 : f32 to vector<16xf32>
        %select_n3A_154 = arith.select %eq3A_149, %get3A_151, %broadcast_in_dim3A_153 : vector<16xi1>, vector<16xf32>
        %reduce_sum3A_155 = arith.constant true
        %reduce_sum3A_156 = vector.broadcast %reduce_sum3A_155 : i1 to vector<16xi1>
        %reduce_sum3A_157 = tpu.scan <sum>, %select_n3A_154 masked %reduce_sum3A_156 : vector<16xf32>, vector<16xi1> -> vector<16xf32>
        %reduce_sum3A_158 = vector.extract %reduce_sum3A_157[15] : f32 from vector<16xf32>
        %get3A_159 = arith.index_cast %mul3A_146 : i32 to index
        %get3A_160 = tpu.vector_load %arg5[%get3A_159] {strides = array<i32>} : memref<2048xf32, #tpu.memory_space<vmem>>, vector<16xf32>,
        %jit3A_161 = arith.constant 0.000000e+00 : f32
        %broadcast_in_dim3A_162 = vector.broadcast %jit3A_161 : f32 to vector<16xf32>
        %select_n3A_163 = arith.select %eq3A_149, %get3A_160, %broadcast_in_dim3A_162 : vector<16xi1>, vector<16xf32>
        %reduce_sum3A_164 = arith.constant true
        %reduce_sum3A_165 = vector.broadcast %reduce_sum3A_164 : i1 to vector<16xi1>
        %reduce_sum3A_166 = tpu.scan <sum>, %select_n3A_163 masked %reduce_sum3A_165 : vector<16xf32>, vector<16xi1> -> vector<16xf32>
        %reduce_sum3A_167 = vector.extract %reduce_sum3A_166[15] : f32 from vector<16xf32>
        %get3A_168 = arith.index_cast %mul3A_146 : i32 to index
        %get3A_169 = tpu.vector_load %arg6[%get3A_168] {strides = array<i32>} : memref<2048xf32, #tpu.memory_space<vmem>>, vector<16xf32>,
        %jit3A_170 = arith.constant 0.000000e+00 : f32
        %broadcast_in_dim3A_171 = vector.broadcast %jit3A_170 : f32 to vector<16xf32>
        %select_n3A_172 = arith.select %eq3A_149, %get3A_169, %broadcast_in_dim3A_171 : vector<16xi1>, vector<16xf32>
        %reduce_sum3A_173 = arith.constant true
        %reduce_sum3A_174 = vector.broadcast %reduce_sum3A_173 : i1 to vector<16xi1>
        %reduce_sum3A_175 = tpu.scan <sum>, %select_n3A_172 masked %reduce_sum3A_174 : vector<16xf32>, vector<16xi1> -> vector<16xf32>
        %reduce_sum3A_176 = vector.extract %reduce_sum3A_175[15] : f32 from vector<16xf32>
        scf.yield %reduce_min3A_123, %reduce_sum3A_158, %reduce_sum3A_167, %reduce_sum3A_176, %select_n3A_79 : i32, f32, f32, f32, vector<16xi32>
      }
      %scan3A_54 = arith.constant 128 : i32
      %mul3A_55 = arith.constant 128 : i32
      %mul3A_56 = arith.muli %add3A, %mul3A_55 : i32
      "tpu.region"() ({
        %run_scoped3A = tpu.sem_alloc : memref<!tpu.dma_semaphore, #tpu.memory_space<semaphore_mem>>
        %dma_start3A = tpu.memref_slice %arg3[%mul3A_56] : memref<1024xi32, #tpu.memory_space<hbm>> -> memref<128xi32, #tpu.memory_space<hbm>>
        %dma_start3A_57 = tpu.memref_slice %arg3[%mul3A_56] : memref<1024xi32, #tpu.memory_space<hbm>> -> memref<128xi32, #tpu.memory_space<hbm>>
        tpu.enqueue_dma source(%arg8 : memref<128xi32, #tpu.memory_space<vmem>>) target(%dma_start3A_57 : memref<128xi32, #tpu.memory_space<hbm>>) target_semaphore(%run_scoped3A : memref<!tpu.dma_semaphore, #tpu.memory_space<semaphore_mem>>)
        %dma_wait3A = tpu.memref_slice %arg3[%mul3A_56] : memref<1024xi32, #tpu.memory_space<hbm>> -> memref<128xi32, #tpu.memory_space<hbm>>
        %dma_wait3A_58 = tpu.memref_slice %arg3[%mul3A_56] : memref<1024xi32, #tpu.memory_space<hbm>> -> memref<128xi32, #tpu.memory_space<hbm>>
        tpu.wait_dma2 semaphore(%run_scoped3A : memref<!tpu.dma_semaphore, #tpu.memory_space<semaphore_mem>>) src(%arg8 : memref<128xi32, #tpu.memory_space<vmem>>) dst(%dma_wait3A_58 : memref<128xi32, #tpu.memory_space<hbm>>)
        tpu.yield
      }) : () -> ()
    } else {
    }
    return
  }
}

module attributes {stable_mosaic.version = 14 : i64} {
  func.func @_density_body(%arg0: i32, %arg1: memref<1x3x2048xf32, #tpu.memory_space<vmem>>, %arg2: memref<1x2048x3xf32, #tpu.memory_space<vmem>>, %arg3: memref<1x2048x4xf32, #tpu.memory_space<vmem>>) attributes {dimension_semantics = [#tpu.dimension_semantics<arbitrary>], iteration_bounds = array<i64: 8>, scalar_prefetch = 0 : i64, scratch_operands = 0 : i64, tpu.core_type = #tpu.core_type<tc>, window_params = [{transform_indices = @transform_0, window_bounds = array<i64: 1, 3, 2048>}, {transform_indices = @transform_1, window_bounds = array<i64: 1, 2048, 3>}, {transform_indices = @transform_2, window_bounds = array<i64: 1, 2048, 4>}]} {
    %get3A = arith.constant 0 : index
    %get3A_0 = arith.constant 0 : index
    %get3A_1 = arith.constant 0 : index
    %get3A_2 = vector.load %arg1[%get3A, %get3A_0, %get3A_1] : memref<1x3x2048xf32, #tpu.memory_space<vmem>>, vector<1x3x2048xf32>
    %get3A_3 = vector.shape_cast %get3A_2 : vector<1x3x2048xf32> to vector<3x2048xf32>
    %mul3A = arith.mulf %get3A_3, %get3A_3 : vector<3x2048xf32>
    %reduce_sum3A = arith.constant dense<0.000000e+00> : vector<2048xf32>
    %reduce_sum3A_4 = vector.multi_reduction <add>, %mul3A, %reduce_sum3A [0] : vector<3x2048xf32> to vector<2048xf32>
    %broadcast_in_dim3A = vector.shape_cast %reduce_sum3A_4 : vector<2048xf32> to vector<1x2048xf32>
    %get3A_5 = arith.constant 0 : index
    %get3A_6 = arith.constant 0 : index
    %get3A_7 = arith.constant 0 : index
    %get3A_8 = vector.load %arg2[%get3A_5, %get3A_6, %get3A_7] : memref<1x2048x3xf32, #tpu.memory_space<vmem>>, vector<1x2048x3xf32>
    %get3A_9 = vector.shape_cast %get3A_8 : vector<1x2048x3xf32> to vector<2048x3xf32>
    %swap3A = arith.constant 0 : index
    %swap3A_10 = arith.constant 0 : index
    %swap3A_11 = arith.constant 0 : index
    %swap3A_12 = vector.load %arg3[%swap3A, %swap3A_10, %swap3A_11] : memref<1x2048x4xf32, #tpu.memory_space<vmem>>, vector<1x2048x3xf32>
    %swap3A_13 = vector.shape_cast %swap3A_12 : vector<1x2048x3xf32> to vector<2048x3xf32>
    %swap3A_14 = vector.shape_cast %get3A_9 : vector<2048x3xf32> to vector<1x2048x3xf32>
    tpu.vector_store %arg3[%swap3A, %swap3A_10, %swap3A_11], %swap3A_14 {strides = array<i32>} : memref<1x2048x4xf32, #tpu.memory_space<vmem>>, vector<1x2048x3xf32>,
    %get3A_15 = arith.constant 0 : index
    %get3A_16 = arith.constant 0 : index
    %get3A_17 = arith.constant 0 : index
    %get3A_18 = vector.load %arg2[%get3A_15, %get3A_16, %get3A_17] : memref<1x2048x3xf32, #tpu.memory_space<vmem>>, vector<1x256x3xf32>
    %get3A_19 = vector.shape_cast %get3A_18 : vector<1x256x3xf32> to vector<256x3xf32>
    %mul3A_20 = arith.mulf %get3A_19, %get3A_19 : vector<256x3xf32>
    %reduce_sum3A_21 = arith.constant dense<0.000000e+00> : vector<256xf32>
    %reduce_sum3A_22 = vector.multi_reduction <add>, %mul3A_20, %reduce_sum3A_21 [1] : vector<256x3xf32> to vector<256xf32>
    %broadcast_in_dim3A_23 = vector.shape_cast %reduce_sum3A_22 : vector<256xf32> to vector<256x1xf32>
    %add3A = vector.broadcast %broadcast_in_dim3A_23 : vector<256x1xf32> to vector<256x2048xf32>
    %add3A_24 = vector.broadcast %broadcast_in_dim3A : vector<1x2048xf32> to vector<256x2048xf32>
    %add3A_25 = arith.addf %add3A, %add3A_24 : vector<256x2048xf32>
    %dot_general3A = arith.constant dense<0.000000e+00> : vector<256x2048xf32>
    %dot_general3A_26 = tpu.matmul %get3A_19, %get3A_3, %dot_general3A {dimension_numbers = #tpu.dot_dimension_numbers<[1], [0], [0], [1], [0, 0, 1, 1], [], []>, transpose_lhs_hint = false} : vector<256x3xf32>, vector<3x2048xf32>, vector<256x2048xf32> -> vector<256x2048xf32>
    %mul3A_27 = arith.constant 2.000000e+00 : f32
    %mul3A_28 = vector.broadcast %mul3A_27 : f32 to vector<256x2048xf32>
    %mul3A_29 = arith.mulf %mul3A_28, %dot_general3A_26 : vector<256x2048xf32>
    %sub3A = arith.subf %add3A_25, %mul3A_29 : vector<256x2048xf32>
    %mul3A_30 = arith.constant -5.000000e+01 : f32
    %mul3A_31 = vector.broadcast %mul3A_30 : f32 to vector<256x2048xf32>
    %mul3A_32 = arith.mulf %sub3A, %mul3A_31 : vector<256x2048xf32>
    %exp3A = math.exp %mul3A_32 : vector<256x2048xf32>
    %reduce_sum3A_33 = arith.constant dense<0.000000e+00> : vector<256xf32>
    %reduce_sum3A_34 = vector.multi_reduction <add>, %exp3A, %reduce_sum3A_33 [1] : vector<256x2048xf32> to vector<256xf32>
    %broadcast_in_dim3A_35 = vector.shape_cast %reduce_sum3A_34 : vector<256xf32> to vector<256x1xf32>
    %mul3A_36 = arith.constant 0.001953125 : f32
    %mul3A_37 = vector.broadcast %mul3A_36 : f32 to vector<256x1xf32>
    %mul3A_38 = arith.mulf %broadcast_in_dim3A_35, %mul3A_37 : vector<256x1xf32>
    %div3A = arith.constant 1.000000e+00 : f32
    %div3A_39 = vector.broadcast %div3A : f32 to vector<256x1xf32>
    %div3A_40 = arith.divf %div3A_39, %mul3A_38 : vector<256x1xf32>
    %swap3A_41 = arith.constant 0 : index
    %swap3A_42 = arith.constant 0 : index
    %swap3A_43 = arith.constant 3 : index
    %swap3A_44 = vector.load %arg3[%swap3A_41, %swap3A_42, %swap3A_43] : memref<1x2048x4xf32, #tpu.memory_space<vmem>>, vector<1x256x1xf32>
    %swap3A_45 = vector.shape_cast %swap3A_44 : vector<1x256x1xf32> to vector<256x1xf32>
    %swap3A_46 = vector.shape_cast %div3A_40 : vector<256x1xf32> to vector<1x256x1xf32>
    tpu.vector_store %arg3[%swap3A_41, %swap3A_42, %swap3A_43], %swap3A_46 {strides = array<i32>} : memref<1x2048x4xf32, #tpu.memory_space<vmem>>, vector<1x256x1xf32>,
    %get3A_47 = arith.constant 0 : index
    %get3A_48 = arith.constant 256 : index
    %get3A_49 = arith.constant 0 : index
    %get3A_50 = vector.load %arg2[%get3A_47, %get3A_48, %get3A_49] : memref<1x2048x3xf32, #tpu.memory_space<vmem>>, vector<1x256x3xf32>
    %get3A_51 = vector.shape_cast %get3A_50 : vector<1x256x3xf32> to vector<256x3xf32>
    %mul3A_52 = arith.mulf %get3A_51, %get3A_51 : vector<256x3xf32>
    %reduce_sum3A_53 = arith.constant dense<0.000000e+00> : vector<256xf32>
    %reduce_sum3A_54 = vector.multi_reduction <add>, %mul3A_52, %reduce_sum3A_53 [1] : vector<256x3xf32> to vector<256xf32>
    %broadcast_in_dim3A_55 = vector.shape_cast %reduce_sum3A_54 : vector<256xf32> to vector<256x1xf32>
    %add3A_56 = vector.broadcast %broadcast_in_dim3A_55 : vector<256x1xf32> to vector<256x2048xf32>
    %add3A_57 = vector.broadcast %broadcast_in_dim3A : vector<1x2048xf32> to vector<256x2048xf32>
    %add3A_58 = arith.addf %add3A_56, %add3A_57 : vector<256x2048xf32>
    %dot_general3A_59 = arith.constant dense<0.000000e+00> : vector<256x2048xf32>
    %dot_general3A_60 = tpu.matmul %get3A_51, %get3A_3, %dot_general3A_59 {dimension_numbers = #tpu.dot_dimension_numbers<[1], [0], [0], [1], [0, 0, 1, 1], [], []>, transpose_lhs_hint = false} : vector<256x3xf32>, vector<3x2048xf32>, vector<256x2048xf32> -> vector<256x2048xf32>
    %mul3A_61 = arith.constant 2.000000e+00 : f32
    %mul3A_62 = vector.broadcast %mul3A_61 : f32 to vector<256x2048xf32>
    %mul3A_63 = arith.mulf %mul3A_62, %dot_general3A_60 : vector<256x2048xf32>
    %sub3A_64 = arith.subf %add3A_58, %mul3A_63 : vector<256x2048xf32>
    %mul3A_65 = arith.constant -5.000000e+01 : f32
    %mul3A_66 = vector.broadcast %mul3A_65 : f32 to vector<256x2048xf32>
    %mul3A_67 = arith.mulf %sub3A_64, %mul3A_66 : vector<256x2048xf32>
    %exp3A_68 = math.exp %mul3A_67 : vector<256x2048xf32>
    %reduce_sum3A_69 = arith.constant dense<0.000000e+00> : vector<256xf32>
    %reduce_sum3A_70 = vector.multi_reduction <add>, %exp3A_68, %reduce_sum3A_69 [1] : vector<256x2048xf32> to vector<256xf32>
    %broadcast_in_dim3A_71 = vector.shape_cast %reduce_sum3A_70 : vector<256xf32> to vector<256x1xf32>
    %mul3A_72 = arith.constant 0.001953125 : f32
    %mul3A_73 = vector.broadcast %mul3A_72 : f32 to vector<256x1xf32>
    %mul3A_74 = arith.mulf %broadcast_in_dim3A_71, %mul3A_73 : vector<256x1xf32>
    %div3A_75 = arith.constant 1.000000e+00 : f32
    %div3A_76 = vector.broadcast %div3A_75 : f32 to vector<256x1xf32>
    %div3A_77 = arith.divf %div3A_76, %mul3A_74 : vector<256x1xf32>
    %swap3A_78 = arith.constant 0 : index
    %swap3A_79 = arith.constant 256 : index
    %swap3A_80 = arith.constant 3 : index
    %swap3A_81 = vector.load %arg3[%swap3A_78, %swap3A_79, %swap3A_80] : memref<1x2048x4xf32, #tpu.memory_space<vmem>>, vector<1x256x1xf32>
    %swap3A_82 = vector.shape_cast %swap3A_81 : vector<1x256x1xf32> to vector<256x1xf32>
    %swap3A_83 = vector.shape_cast %div3A_77 : vector<256x1xf32> to vector<1x256x1xf32>
    tpu.vector_store %arg3[%swap3A_78, %swap3A_79, %swap3A_80], %swap3A_83 {strides = array<i32>} : memref<1x2048x4xf32, #tpu.memory_space<vmem>>, vector<1x256x1xf32>,
    %get3A_84 = arith.constant 0 : index
    %get3A_85 = arith.constant 512 : index
    %get3A_86 = arith.constant 0 : index
    %get3A_87 = vector.load %arg2[%get3A_84, %get3A_85, %get3A_86] : memref<1x2048x3xf32, #tpu.memory_space<vmem>>, vector<1x256x3xf32>
    %get3A_88 = vector.shape_cast %get3A_87 : vector<1x256x3xf32> to vector<256x3xf32>
    %mul3A_89 = arith.mulf %get3A_88, %get3A_88 : vector<256x3xf32>
    %reduce_sum3A_90 = arith.constant dense<0.000000e+00> : vector<256xf32>
    %reduce_sum3A_91 = vector.multi_reduction <add>, %mul3A_89, %reduce_sum3A_90 [1] : vector<256x3xf32> to vector<256xf32>
    %broadcast_in_dim3A_92 = vector.shape_cast %reduce_sum3A_91 : vector<256xf32> to vector<256x1xf32>
    %add3A_93 = vector.broadcast %broadcast_in_dim3A_92 : vector<256x1xf32> to vector<256x2048xf32>
    %add3A_94 = vector.broadcast %broadcast_in_dim3A : vector<1x2048xf32> to vector<256x2048xf32>
    %add3A_95 = arith.addf %add3A_93, %add3A_94 : vector<256x2048xf32>
    %dot_general3A_96 = arith.constant dense<0.000000e+00> : vector<256x2048xf32>
    %dot_general3A_97 = tpu.matmul %get3A_88, %get3A_3, %dot_general3A_96 {dimension_numbers = #tpu.dot_dimension_numbers<[1], [0], [0], [1], [0, 0, 1, 1], [], []>, transpose_lhs_hint = false} : vector<256x3xf32>, vector<3x2048xf32>, vector<256x2048xf32> -> vector<256x2048xf32>
    %mul3A_98 = arith.constant 2.000000e+00 : f32
    %mul3A_99 = vector.broadcast %mul3A_98 : f32 to vector<256x2048xf32>
    %mul3A_100 = arith.mulf %mul3A_99, %dot_general3A_97 : vector<256x2048xf32>
    %sub3A_101 = arith.subf %add3A_95, %mul3A_100 : vector<256x2048xf32>
    %mul3A_102 = arith.constant -5.000000e+01 : f32
    %mul3A_103 = vector.broadcast %mul3A_102 : f32 to vector<256x2048xf32>
    %mul3A_104 = arith.mulf %sub3A_101, %mul3A_103 : vector<256x2048xf32>
    %exp3A_105 = math.exp %mul3A_104 : vector<256x2048xf32>
    %reduce_sum3A_106 = arith.constant dense<0.000000e+00> : vector<256xf32>
    %reduce_sum3A_107 = vector.multi_reduction <add>, %exp3A_105, %reduce_sum3A_106 [1] : vector<256x2048xf32> to vector<256xf32>
    %broadcast_in_dim3A_108 = vector.shape_cast %reduce_sum3A_107 : vector<256xf32> to vector<256x1xf32>
    %mul3A_109 = arith.constant 0.001953125 : f32
    %mul3A_110 = vector.broadcast %mul3A_109 : f32 to vector<256x1xf32>
    %mul3A_111 = arith.mulf %broadcast_in_dim3A_108, %mul3A_110 : vector<256x1xf32>
    %div3A_112 = arith.constant 1.000000e+00 : f32
    %div3A_113 = vector.broadcast %div3A_112 : f32 to vector<256x1xf32>
    %div3A_114 = arith.divf %div3A_113, %mul3A_111 : vector<256x1xf32>
    %swap3A_115 = arith.constant 0 : index
    %swap3A_116 = arith.constant 512 : index
    %swap3A_117 = arith.constant 3 : index
    %swap3A_118 = vector.load %arg3[%swap3A_115, %swap3A_116, %swap3A_117] : memref<1x2048x4xf32, #tpu.memory_space<vmem>>, vector<1x256x1xf32>
    %swap3A_119 = vector.shape_cast %swap3A_118 : vector<1x256x1xf32> to vector<256x1xf32>
    %swap3A_120 = vector.shape_cast %div3A_114 : vector<256x1xf32> to vector<1x256x1xf32>
    tpu.vector_store %arg3[%swap3A_115, %swap3A_116, %swap3A_117], %swap3A_120 {strides = array<i32>} : memref<1x2048x4xf32, #tpu.memory_space<vmem>>, vector<1x256x1xf32>,
    %get3A_121 = arith.constant 0 : index
    %get3A_122 = arith.constant 768 : index
    %get3A_123 = arith.constant 0 : index
    %get3A_124 = vector.load %arg2[%get3A_121, %get3A_122, %get3A_123] : memref<1x2048x3xf32, #tpu.memory_space<vmem>>, vector<1x256x3xf32>
    %get3A_125 = vector.shape_cast %get3A_124 : vector<1x256x3xf32> to vector<256x3xf32>
    %mul3A_126 = arith.mulf %get3A_125, %get3A_125 : vector<256x3xf32>
    %reduce_sum3A_127 = arith.constant dense<0.000000e+00> : vector<256xf32>
    %reduce_sum3A_128 = vector.multi_reduction <add>, %mul3A_126, %reduce_sum3A_127 [1] : vector<256x3xf32> to vector<256xf32>
    %broadcast_in_dim3A_129 = vector.shape_cast %reduce_sum3A_128 : vector<256xf32> to vector<256x1xf32>
    %add3A_130 = vector.broadcast %broadcast_in_dim3A_129 : vector<256x1xf32> to vector<256x2048xf32>
    %add3A_131 = vector.broadcast %broadcast_in_dim3A : vector<1x2048xf32> to vector<256x2048xf32>
    %add3A_132 = arith.addf %add3A_130, %add3A_131 : vector<256x2048xf32>
    %dot_general3A_133 = arith.constant dense<0.000000e+00> : vector<256x2048xf32>
    %dot_general3A_134 = tpu.matmul %get3A_125, %get3A_3, %dot_general3A_133 {dimension_numbers = #tpu.dot_dimension_numbers<[1], [0], [0], [1], [0, 0, 1, 1], [], []>, transpose_lhs_hint = false} : vector<256x3xf32>, vector<3x2048xf32>, vector<256x2048xf32> -> vector<256x2048xf32>
    %mul3A_135 = arith.constant 2.000000e+00 : f32
    %mul3A_136 = vector.broadcast %mul3A_135 : f32 to vector<256x2048xf32>
    %mul3A_137 = arith.mulf %mul3A_136, %dot_general3A_134 : vector<256x2048xf32>
    %sub3A_138 = arith.subf %add3A_132, %mul3A_137 : vector<256x2048xf32>
    %mul3A_139 = arith.constant -5.000000e+01 : f32
    %mul3A_140 = vector.broadcast %mul3A_139 : f32 to vector<256x2048xf32>
    %mul3A_141 = arith.mulf %sub3A_138, %mul3A_140 : vector<256x2048xf32>
    %exp3A_142 = math.exp %mul3A_141 : vector<256x2048xf32>
    %reduce_sum3A_143 = arith.constant dense<0.000000e+00> : vector<256xf32>
    %reduce_sum3A_144 = vector.multi_reduction <add>, %exp3A_142, %reduce_sum3A_143 [1] : vector<256x2048xf32> to vector<256xf32>
    %broadcast_in_dim3A_145 = vector.shape_cast %reduce_sum3A_144 : vector<256xf32> to vector<256x1xf32>
    %mul3A_146 = arith.constant 0.001953125 : f32
    %mul3A_147 = vector.broadcast %mul3A_146 : f32 to vector<256x1xf32>
    %mul3A_148 = arith.mulf %broadcast_in_dim3A_145, %mul3A_147 : vector<256x1xf32>
    %div3A_149 = arith.constant 1.000000e+00 : f32
    %div3A_150 = vector.broadcast %div3A_149 : f32 to vector<256x1xf32>
    %div3A_151 = arith.divf %div3A_150, %mul3A_148 : vector<256x1xf32>
    %swap3A_152 = arith.constant 0 : index
    %swap3A_153 = arith.constant 768 : index
    %swap3A_154 = arith.constant 3 : index
    %swap3A_155 = vector.load %arg3[%swap3A_152, %swap3A_153, %swap3A_154] : memref<1x2048x4xf32, #tpu.memory_space<vmem>>, vector<1x256x1xf32>
    %swap3A_156 = vector.shape_cast %swap3A_155 : vector<1x256x1xf32> to vector<256x1xf32>
    %swap3A_157 = vector.shape_cast %div3A_151 : vector<256x1xf32> to vector<1x256x1xf32>
    tpu.vector_store %arg3[%swap3A_152, %swap3A_153, %swap3A_154], %swap3A_157 {strides = array<i32>} : memref<1x2048x4xf32, #tpu.memory_space<vmem>>, vector<1x256x1xf32>,
    %get3A_158 = arith.constant 0 : index
    %get3A_159 = arith.constant 1024 : index
    %get3A_160 = arith.constant 0 : index
    %get3A_161 = vector.load %arg2[%get3A_158, %get3A_159, %get3A_160] : memref<1x2048x3xf32, #tpu.memory_space<vmem>>, vector<1x256x3xf32>
    %get3A_162 = vector.shape_cast %get3A_161 : vector<1x256x3xf32> to vector<256x3xf32>
    %mul3A_163 = arith.mulf %get3A_162, %get3A_162 : vector<256x3xf32>
    %reduce_sum3A_164 = arith.constant dense<0.000000e+00> : vector<256xf32>
    %reduce_sum3A_165 = vector.multi_reduction <add>, %mul3A_163, %reduce_sum3A_164 [1] : vector<256x3xf32> to vector<256xf32>
    %broadcast_in_dim3A_166 = vector.shape_cast %reduce_sum3A_165 : vector<256xf32> to vector<256x1xf32>
    %add3A_167 = vector.broadcast %broadcast_in_dim3A_166 : vector<256x1xf32> to vector<256x2048xf32>
    %add3A_168 = vector.broadcast %broadcast_in_dim3A : vector<1x2048xf32> to vector<256x2048xf32>
    %add3A_169 = arith.addf %add3A_167, %add3A_168 : vector<256x2048xf32>
    %dot_general3A_170 = arith.constant dense<0.000000e+00> : vector<256x2048xf32>
    %dot_general3A_171 = tpu.matmul %get3A_162, %get3A_3, %dot_general3A_170 {dimension_numbers = #tpu.dot_dimension_numbers<[1], [0], [0], [1], [0, 0, 1, 1], [], []>, transpose_lhs_hint = false} : vector<256x3xf32>, vector<3x2048xf32>, vector<256x2048xf32> -> vector<256x2048xf32>
    %mul3A_172 = arith.constant 2.000000e+00 : f32
    %mul3A_173 = vector.broadcast %mul3A_172 : f32 to vector<256x2048xf32>
    %mul3A_174 = arith.mulf %mul3A_173, %dot_general3A_171 : vector<256x2048xf32>
    %sub3A_175 = arith.subf %add3A_169, %mul3A_174 : vector<256x2048xf32>
    %mul3A_176 = arith.constant -5.000000e+01 : f32
    %mul3A_177 = vector.broadcast %mul3A_176 : f32 to vector<256x2048xf32>
    %mul3A_178 = arith.mulf %sub3A_175, %mul3A_177 : vector<256x2048xf32>
    %exp3A_179 = math.exp %mul3A_178 : vector<256x2048xf32>
    %reduce_sum3A_180 = arith.constant dense<0.000000e+00> : vector<256xf32>
    %reduce_sum3A_181 = vector.multi_reduction <add>, %exp3A_179, %reduce_sum3A_180 [1] : vector<256x2048xf32> to vector<256xf32>
    %broadcast_in_dim3A_182 = vector.shape_cast %reduce_sum3A_181 : vector<256xf32> to vector<256x1xf32>
    %mul3A_183 = arith.constant 0.001953125 : f32
    %mul3A_184 = vector.broadcast %mul3A_183 : f32 to vector<256x1xf32>
    %mul3A_185 = arith.mulf %broadcast_in_dim3A_182, %mul3A_184 : vector<256x1xf32>
    %div3A_186 = arith.constant 1.000000e+00 : f32
    %div3A_187 = vector.broadcast %div3A_186 : f32 to vector<256x1xf32>
    %div3A_188 = arith.divf %div3A_187, %mul3A_185 : vector<256x1xf32>
    %swap3A_189 = arith.constant 0 : index
    %swap3A_190 = arith.constant 1024 : index
    %swap3A_191 = arith.constant 3 : index
    %swap3A_192 = vector.load %arg3[%swap3A_189, %swap3A_190, %swap3A_191] : memref<1x2048x4xf32, #tpu.memory_space<vmem>>, vector<1x256x1xf32>
    %swap3A_193 = vector.shape_cast %swap3A_192 : vector<1x256x1xf32> to vector<256x1xf32>
    %swap3A_194 = vector.shape_cast %div3A_188 : vector<256x1xf32> to vector<1x256x1xf32>
    tpu.vector_store %arg3[%swap3A_189, %swap3A_190, %swap3A_191], %swap3A_194 {strides = array<i32>} : memref<1x2048x4xf32, #tpu.memory_space<vmem>>, vector<1x256x1xf32>,
    %get3A_195 = arith.constant 0 : index
    %get3A_196 = arith.constant 1280 : index
    %get3A_197 = arith.constant 0 : index
    %get3A_198 = vector.load %arg2[%get3A_195, %get3A_196, %get3A_197] : memref<1x2048x3xf32, #tpu.memory_space<vmem>>, vector<1x256x3xf32>
    %get3A_199 = vector.shape_cast %get3A_198 : vector<1x256x3xf32> to vector<256x3xf32>
    %mul3A_200 = arith.mulf %get3A_199, %get3A_199 : vector<256x3xf32>
    %reduce_sum3A_201 = arith.constant dense<0.000000e+00> : vector<256xf32>
    %reduce_sum3A_202 = vector.multi_reduction <add>, %mul3A_200, %reduce_sum3A_201 [1] : vector<256x3xf32> to vector<256xf32>
    %broadcast_in_dim3A_203 = vector.shape_cast %reduce_sum3A_202 : vector<256xf32> to vector<256x1xf32>
    %add3A_204 = vector.broadcast %broadcast_in_dim3A_203 : vector<256x1xf32> to vector<256x2048xf32>
    %add3A_205 = vector.broadcast %broadcast_in_dim3A : vector<1x2048xf32> to vector<256x2048xf32>
    %add3A_206 = arith.addf %add3A_204, %add3A_205 : vector<256x2048xf32>
    %dot_general3A_207 = arith.constant dense<0.000000e+00> : vector<256x2048xf32>
    %dot_general3A_208 = tpu.matmul %get3A_199, %get3A_3, %dot_general3A_207 {dimension_numbers = #tpu.dot_dimension_numbers<[1], [0], [0], [1], [0, 0, 1, 1], [], []>, transpose_lhs_hint = false} : vector<256x3xf32>, vector<3x2048xf32>, vector<256x2048xf32> -> vector<256x2048xf32>
    %mul3A_209 = arith.constant 2.000000e+00 : f32
    %mul3A_210 = vector.broadcast %mul3A_209 : f32 to vector<256x2048xf32>
    %mul3A_211 = arith.mulf %mul3A_210, %dot_general3A_208 : vector<256x2048xf32>
    %sub3A_212 = arith.subf %add3A_206, %mul3A_211 : vector<256x2048xf32>
    %mul3A_213 = arith.constant -5.000000e+01 : f32
    %mul3A_214 = vector.broadcast %mul3A_213 : f32 to vector<256x2048xf32>
    %mul3A_215 = arith.mulf %sub3A_212, %mul3A_214 : vector<256x2048xf32>
    %exp3A_216 = math.exp %mul3A_215 : vector<256x2048xf32>
    %reduce_sum3A_217 = arith.constant dense<0.000000e+00> : vector<256xf32>
    %reduce_sum3A_218 = vector.multi_reduction <add>, %exp3A_216, %reduce_sum3A_217 [1] : vector<256x2048xf32> to vector<256xf32>
    %broadcast_in_dim3A_219 = vector.shape_cast %reduce_sum3A_218 : vector<256xf32> to vector<256x1xf32>
    %mul3A_220 = arith.constant 0.001953125 : f32
    %mul3A_221 = vector.broadcast %mul3A_220 : f32 to vector<256x1xf32>
    %mul3A_222 = arith.mulf %broadcast_in_dim3A_219, %mul3A_221 : vector<256x1xf32>
    %div3A_223 = arith.constant 1.000000e+00 : f32
    %div3A_224 = vector.broadcast %div3A_223 : f32 to vector<256x1xf32>
    %div3A_225 = arith.divf %div3A_224, %mul3A_222 : vector<256x1xf32>
    %swap3A_226 = arith.constant 0 : index
    %swap3A_227 = arith.constant 1280 : index
    %swap3A_228 = arith.constant 3 : index
    %swap3A_229 = vector.load %arg3[%swap3A_226, %swap3A_227, %swap3A_228] : memref<1x2048x4xf32, #tpu.memory_space<vmem>>, vector<1x256x1xf32>
    %swap3A_230 = vector.shape_cast %swap3A_229 : vector<1x256x1xf32> to vector<256x1xf32>
    %swap3A_231 = vector.shape_cast %div3A_225 : vector<256x1xf32> to vector<1x256x1xf32>
    tpu.vector_store %arg3[%swap3A_226, %swap3A_227, %swap3A_228], %swap3A_231 {strides = array<i32>} : memref<1x2048x4xf32, #tpu.memory_space<vmem>>, vector<1x256x1xf32>,
    %get3A_232 = arith.constant 0 : index
    %get3A_233 = arith.constant 1536 : index
    %get3A_234 = arith.constant 0 : index
    %get3A_235 = vector.load %arg2[%get3A_232, %get3A_233, %get3A_234] : memref<1x2048x3xf32, #tpu.memory_space<vmem>>, vector<1x256x3xf32>
    %get3A_236 = vector.shape_cast %get3A_235 : vector<1x256x3xf32> to vector<256x3xf32>
    %mul3A_237 = arith.mulf %get3A_236, %get3A_236 : vector<256x3xf32>
    %reduce_sum3A_238 = arith.constant dense<0.000000e+00> : vector<256xf32>
    %reduce_sum3A_239 = vector.multi_reduction <add>, %mul3A_237, %reduce_sum3A_238 [1] : vector<256x3xf32> to vector<256xf32>
    %broadcast_in_dim3A_240 = vector.shape_cast %reduce_sum3A_239 : vector<256xf32> to vector<256x1xf32>
    %add3A_241 = vector.broadcast %broadcast_in_dim3A_240 : vector<256x1xf32> to vector<256x2048xf32>
    %add3A_242 = vector.broadcast %broadcast_in_dim3A : vector<1x2048xf32> to vector<256x2048xf32>
    %add3A_243 = arith.addf %add3A_241, %add3A_242 : vector<256x2048xf32>
    %dot_general3A_244 = arith.constant dense<0.000000e+00> : vector<256x2048xf32>
    %dot_general3A_245 = tpu.matmul %get3A_236, %get3A_3, %dot_general3A_244 {dimension_numbers = #tpu.dot_dimension_numbers<[1], [0], [0], [1], [0, 0, 1, 1], [], []>, transpose_lhs_hint = false} : vector<256x3xf32>, vector<3x2048xf32>, vector<256x2048xf32> -> vector<256x2048xf32>
    %mul3A_246 = arith.constant 2.000000e+00 : f32
    %mul3A_247 = vector.broadcast %mul3A_246 : f32 to vector<256x2048xf32>
    %mul3A_248 = arith.mulf %mul3A_247, %dot_general3A_245 : vector<256x2048xf32>
    %sub3A_249 = arith.subf %add3A_243, %mul3A_248 : vector<256x2048xf32>
    %mul3A_250 = arith.constant -5.000000e+01 : f32
    %mul3A_251 = vector.broadcast %mul3A_250 : f32 to vector<256x2048xf32>
    %mul3A_252 = arith.mulf %sub3A_249, %mul3A_251 : vector<256x2048xf32>
    %exp3A_253 = math.exp %mul3A_252 : vector<256x2048xf32>
    %reduce_sum3A_254 = arith.constant dense<0.000000e+00> : vector<256xf32>
    %reduce_sum3A_255 = vector.multi_reduction <add>, %exp3A_253, %reduce_sum3A_254 [1] : vector<256x2048xf32> to vector<256xf32>
    %broadcast_in_dim3A_256 = vector.shape_cast %reduce_sum3A_255 : vector<256xf32> to vector<256x1xf32>
    %mul3A_257 = arith.constant 0.001953125 : f32
    %mul3A_258 = vector.broadcast %mul3A_257 : f32 to vector<256x1xf32>
    %mul3A_259 = arith.mulf %broadcast_in_dim3A_256, %mul3A_258 : vector<256x1xf32>
    %div3A_260 = arith.constant 1.000000e+00 : f32
    %div3A_261 = vector.broadcast %div3A_260 : f32 to vector<256x1xf32>
    %div3A_262 = arith.divf %div3A_261, %mul3A_259 : vector<256x1xf32>
    %swap3A_263 = arith.constant 0 : index
    %swap3A_264 = arith.constant 1536 : index
    %swap3A_265 = arith.constant 3 : index
    %swap3A_266 = vector.load %arg3[%swap3A_263, %swap3A_264, %swap3A_265] : memref<1x2048x4xf32, #tpu.memory_space<vmem>>, vector<1x256x1xf32>
    %swap3A_267 = vector.shape_cast %swap3A_266 : vector<1x256x1xf32> to vector<256x1xf32>
    %swap3A_268 = vector.shape_cast %div3A_262 : vector<256x1xf32> to vector<1x256x1xf32>
    tpu.vector_store %arg3[%swap3A_263, %swap3A_264, %swap3A_265], %swap3A_268 {strides = array<i32>} : memref<1x2048x4xf32, #tpu.memory_space<vmem>>, vector<1x256x1xf32>,
    %get3A_269 = arith.constant 0 : index
    %get3A_270 = arith.constant 1792 : index
    %get3A_271 = arith.constant 0 : index
    %get3A_272 = vector.load %arg2[%get3A_269, %get3A_270, %get3A_271] : memref<1x2048x3xf32, #tpu.memory_space<vmem>>, vector<1x256x3xf32>
    %get3A_273 = vector.shape_cast %get3A_272 : vector<1x256x3xf32> to vector<256x3xf32>
    %mul3A_274 = arith.mulf %get3A_273, %get3A_273 : vector<256x3xf32>
    %reduce_sum3A_275 = arith.constant dense<0.000000e+00> : vector<256xf32>
    %reduce_sum3A_276 = vector.multi_reduction <add>, %mul3A_274, %reduce_sum3A_275 [1] : vector<256x3xf32> to vector<256xf32>
    %broadcast_in_dim3A_277 = vector.shape_cast %reduce_sum3A_276 : vector<256xf32> to vector<256x1xf32>
    %add3A_278 = vector.broadcast %broadcast_in_dim3A_277 : vector<256x1xf32> to vector<256x2048xf32>
    %add3A_279 = vector.broadcast %broadcast_in_dim3A : vector<1x2048xf32> to vector<256x2048xf32>
    %add3A_280 = arith.addf %add3A_278, %add3A_279 : vector<256x2048xf32>
    %dot_general3A_281 = arith.constant dense<0.000000e+00> : vector<256x2048xf32>
    %dot_general3A_282 = tpu.matmul %get3A_273, %get3A_3, %dot_general3A_281 {dimension_numbers = #tpu.dot_dimension_numbers<[1], [0], [0], [1], [0, 0, 1, 1], [], []>, transpose_lhs_hint = false} : vector<256x3xf32>, vector<3x2048xf32>, vector<256x2048xf32> -> vector<256x2048xf32>
    %mul3A_283 = arith.constant 2.000000e+00 : f32
    %mul3A_284 = vector.broadcast %mul3A_283 : f32 to vector<256x2048xf32>
    %mul3A_285 = arith.mulf %mul3A_284, %dot_general3A_282 : vector<256x2048xf32>
    %sub3A_286 = arith.subf %add3A_280, %mul3A_285 : vector<256x2048xf32>
    %mul3A_287 = arith.constant -5.000000e+01 : f32
    %mul3A_288 = vector.broadcast %mul3A_287 : f32 to vector<256x2048xf32>
    %mul3A_289 = arith.mulf %sub3A_286, %mul3A_288 : vector<256x2048xf32>
    %exp3A_290 = math.exp %mul3A_289 : vector<256x2048xf32>
    %reduce_sum3A_291 = arith.constant dense<0.000000e+00> : vector<256xf32>
    %reduce_sum3A_292 = vector.multi_reduction <add>, %exp3A_290, %reduce_sum3A_291 [1] : vector<256x2048xf32> to vector<256xf32>
    %broadcast_in_dim3A_293 = vector.shape_cast %reduce_sum3A_292 : vector<256xf32> to vector<256x1xf32>
    %mul3A_294 = arith.constant 0.001953125 : f32
    %mul3A_295 = vector.broadcast %mul3A_294 : f32 to vector<256x1xf32>
    %mul3A_296 = arith.mulf %broadcast_in_dim3A_293, %mul3A_295 : vector<256x1xf32>
    %div3A_297 = arith.constant 1.000000e+00 : f32
    %div3A_298 = vector.broadcast %div3A_297 : f32 to vector<256x1xf32>
    %div3A_299 = arith.divf %div3A_298, %mul3A_296 : vector<256x1xf32>
    %swap3A_300 = arith.constant 0 : index
    %swap3A_301 = arith.constant 1792 : index
    %swap3A_302 = arith.constant 3 : index
    %swap3A_303 = vector.load %arg3[%swap3A_300, %swap3A_301, %swap3A_302] : memref<1x2048x4xf32, #tpu.memory_space<vmem>>, vector<1x256x1xf32>
    %swap3A_304 = vector.shape_cast %swap3A_303 : vector<1x256x1xf32> to vector<256x1xf32>
    %swap3A_305 = vector.shape_cast %div3A_299 : vector<256x1xf32> to vector<1x256x1xf32>
    tpu.vector_store %arg3[%swap3A_300, %swap3A_301, %swap3A_302], %swap3A_305 {strides = array<i32>} : memref<1x2048x4xf32, #tpu.memory_space<vmem>>, vector<1x256x1xf32>,
    return
  }
  func.func @transform_0(%arg0: i32) -> (i32, i32, i32) {
    %c0_i32 = arith.constant 0 : i32
    %c0_i32_0 = arith.constant 0 : i32
    %c0_i32_1 = arith.constant 0 : i32
    return %arg0, %c0_i32, %c0_i32_0 : i32, i32, i32
  }
  func.func @transform_1(%arg0: i32) -> (i32, i32, i32) {
    %c0_i32 = arith.constant 0 : i32
    %c0_i32_0 = arith.constant 0 : i32
    %c0_i32_1 = arith.constant 0 : i32
    return %arg0, %c0_i32, %c0_i32_0 : i32, i32, i32
  }
  func.func @transform_2(%arg0: i32) -> (i32, i32, i32) {
    %c0_i32 = arith.constant 0 : i32
    %c0_i32_0 = arith.constant 0 : i32
    %c0_i32_1 = arith.constant 0 : i32
    return %arg0, %c0_i32, %c0_i32_0 : i32, i32, i32
  }
}

module attributes {stable_mosaic.version = 14 : i64} {
  func.func @_sa_body(%arg0: i32, %arg1: memref<1x3x2048xf32, #tpu.memory_space<vmem>>, %arg2: memref<1x2048x4xf32, #tpu.memory_space<vmem>>, %arg3: memref<1x128x1xi32, #tpu.memory_space<vmem>>, %arg4: memref<3x64xf32, #tpu.memory_space<vmem>>, %arg5: memref<3x64xf32, #tpu.memory_space<vmem>>, %arg6: memref<1x64xf32, #tpu.memory_space<vmem>>, %arg7: memref<3x8xf32, #tpu.memory_space<vmem>>, %arg8: memref<1x8xf32, #tpu.memory_space<vmem>>, %arg9: memref<8x8xf32, #tpu.memory_space<vmem>>, %arg10: memref<1x8xf32, #tpu.memory_space<vmem>>, %arg11: memref<8x16xf32, #tpu.memory_space<vmem>>, %arg12: memref<1x16xf32, #tpu.memory_space<vmem>>, %arg13: memref<1x16xf32, #tpu.memory_space<vmem>>, %arg14: memref<1x16xf32, #tpu.memory_space<vmem>>, %arg15: memref<16x8xf32, #tpu.memory_space<vmem>>, %arg16: memref<1x8xf32, #tpu.memory_space<vmem>>, %arg17: memref<8x1xf32, #tpu.memory_space<vmem>>, %arg18: memref<1x1xf32, #tpu.memory_space<vmem>>, %arg19: memref<1024x64xf32, #tpu.memory_space<vmem>>, %arg20: memref<1x64xf32, #tpu.memory_space<vmem>>, %arg21: memref<16x1024xf32, #tpu.memory_space<vmem>>, %arg22: memref<64x1024xf32, #tpu.memory_space<vmem>>, %arg23: memref<67x16xf32, #tpu.memory_space<vmem>>, %arg24: memref<1x16xf32, #tpu.memory_space<vmem>>, %arg25: memref<3x8xf32, #tpu.memory_space<vmem>>, %arg26: memref<1x8xf32, #tpu.memory_space<vmem>>, %arg27: memref<8x8xf32, #tpu.memory_space<vmem>>, %arg28: memref<1x8xf32, #tpu.memory_space<vmem>>, %arg29: memref<8x16xf32, #tpu.memory_space<vmem>>, %arg30: memref<1x16xf32, #tpu.memory_space<vmem>>, %arg31: memref<1x16xf32, #tpu.memory_space<vmem>>, %arg32: memref<1x16xf32, #tpu.memory_space<vmem>>, %arg33: memref<16x8xf32, #tpu.memory_space<vmem>>, %arg34: memref<1x8xf32, #tpu.memory_space<vmem>>, %arg35: memref<8x1xf32, #tpu.memory_space<vmem>>, %arg36: memref<1x1xf32, #tpu.memory_space<vmem>>, %arg37: memref<256x16xf32, #tpu.memory_space<vmem>>, %arg38: memref<1x16xf32, #tpu.memory_space<vmem>>, %arg39: memref<16x256xf32, #tpu.memory_space<vmem>>, %arg40: memref<16x256xf32, #tpu.memory_space<vmem>>, %arg41: memref<1x1x16xf32, #tpu.memory_space<vmem>>) attributes {dimension_semantics = [#tpu.dimension_semantics<arbitrary>], iteration_bounds = array<i64: 8>, scalar_prefetch = 0 : i64, scratch_operands = 0 : i64, tpu.core_type = #tpu.core_type<tc>, window_params = [{transform_indices = @transform_0, window_bounds = array<i64: 1, 3, 2048>}, {transform_indices = @transform_1, window_bounds = array<i64: 1, 2048, 4>}, {transform_indices = @transform_2, window_bounds = array<i64: 1, 128, 1>}, {pipeline_mode = #tpu.pipeline_mode<synchronous>, transform_indices = @transform_3, window_bounds = array<i64: 3, 64>}, {pipeline_mode = #tpu.pipeline_mode<synchronous>, transform_indices = @transform_4, window_bounds = array<i64: 3, 64>}, {pipeline_mode = #tpu.pipeline_mode<synchronous>, transform_indices = @transform_5, window_bounds = array<i64: 1, 64>}, {pipeline_mode = #tpu.pipeline_mode<synchronous>, transform_indices = @transform_6, window_bounds = array<i64: 3, 8>}, {pipeline_mode = #tpu.pipeline_mode<synchronous>, transform_indices = @transform_7, window_bounds = array<i64: 1, 8>}, {pipeline_mode = #tpu.pipeline_mode<synchronous>, transform_indices = @transform_8, window_bounds = array<i64: 8, 8>}, {pipeline_mode = #tpu.pipeline_mode<synchronous>, transform_indices = @transform_9, window_bounds = array<i64: 1, 8>}, {pipeline_mode = #tpu.pipeline_mode<synchronous>, transform_indices = @transform_10, window_bounds = array<i64: 8, 16>}, {pipeline_mode = #tpu.pipeline_mode<synchronous>, transform_indices = @transform_11, window_bounds = array<i64: 1, 16>}, {pipeline_mode = #tpu.pipeline_mode<synchronous>, transform_indices = @transform_12, window_bounds = array<i64: 1, 16>}, {pipeline_mode = #tpu.pipeline_mode<synchronous>, transform_indices = @transform_13, window_bounds = array<i64: 1, 16>}, {pipeline_mode = #tpu.pipeline_mode<synchronous>, transform_indices = @transform_14, window_bounds = array<i64: 16, 8>}, {pipeline_mode = #tpu.pipeline_mode<synchronous>, transform_indices = @transform_15, window_bounds = array<i64: 1, 8>}, {pipeline_mode = #tpu.pipeline_mode<synchronous>, transform_indices = @transform_16, window_bounds = array<i64: 8, 1>}, {pipeline_mode = #tpu.pipeline_mode<synchronous>, transform_indices = @transform_17, window_bounds = array<i64: 1, 1>}, {pipeline_mode = #tpu.pipeline_mode<synchronous>, transform_indices = @transform_18, window_bounds = array<i64: 1024, 64>}, {pipeline_mode = #tpu.pipeline_mode<synchronous>, transform_indices = @transform_19, window_bounds = array<i64: 1, 64>}, {pipeline_mode = #tpu.pipeline_mode<synchronous>, transform_indices = @transform_20, window_bounds = array<i64: 16, 1024>}, {pipeline_mode = #tpu.pipeline_mode<synchronous>, transform_indices = @transform_21, window_bounds = array<i64: 64, 1024>}, {pipeline_mode = #tpu.pipeline_mode<synchronous>, transform_indices = @transform_22, window_bounds = array<i64: 67, 16>}, {pipeline_mode = #tpu.pipeline_mode<synchronous>, transform_indices = @transform_23, window_bounds = array<i64: 1, 16>}, {pipeline_mode = #tpu.pipeline_mode<synchronous>, transform_indices = @transform_24, window_bounds = array<i64: 3, 8>}, {pipeline_mode = #tpu.pipeline_mode<synchronous>, transform_indices = @transform_25, window_bounds = array<i64: 1, 8>}, {pipeline_mode = #tpu.pipeline_mode<synchronous>, transform_indices = @transform_26, window_bounds = array<i64: 8, 8>}, {pipeline_mode = #tpu.pipeline_mode<synchronous>, transform_indices = @transform_27, window_bounds = array<i64: 1, 8>}, {pipeline_mode = #tpu.pipeline_mode<synchronous>, transform_indices = @transform_28, window_bounds = array<i64: 8, 16>}, {pipeline_mode = #tpu.pipeline_mode<synchronous>, transform_indices = @transform_29, window_bounds = array<i64: 1, 16>}, {pipeline_mode = #tpu.pipeline_mode<synchronous>, transform_indices = @transform_30, window_bounds = array<i64: 1, 16>}, {pipeline_mode = #tpu.pipeline_mode<synchronous>, transform_indices = @transform_31, window_bounds = array<i64: 1, 16>}, {pipeline_mode = #tpu.pipeline_mode<synchronous>, transform_indices = @transform_32, window_bounds = array<i64: 16, 8>}, {pipeline_mode = #tpu.pipeline_mode<synchronous>, transform_indices = @transform_33, window_bounds = array<i64: 1, 8>}, {pipeline_mode = #tpu.pipeline_mode<synchronous>, transform_indices = @transform_34, window_bounds = array<i64: 8, 1>}, {pipeline_mode = #tpu.pipeline_mode<synchronous>, transform_indices = @transform_35, window_bounds = array<i64: 1, 1>}, {pipeline_mode = #tpu.pipeline_mode<synchronous>, transform_indices = @transform_36, window_bounds = array<i64: 256, 16>}, {pipeline_mode = #tpu.pipeline_mode<synchronous>, transform_indices = @transform_37, window_bounds = array<i64: 1, 16>}, {pipeline_mode = #tpu.pipeline_mode<synchronous>, transform_indices = @transform_38, window_bounds = array<i64: 16, 256>}, {pipeline_mode = #tpu.pipeline_mode<synchronous>, transform_indices = @transform_39, window_bounds = array<i64: 16, 256>}, {transform_indices = @transform_40, window_bounds = array<i64: 1, 1, 16>}]} {
    %get3A = arith.constant 0 : index
    %get3A_0 = arith.constant 0 : index
    %get3A_1 = arith.constant 0 : index
    %get3A_2 = vector.load %arg1[%get3A, %get3A_0, %get3A_1] : memref<1x3x2048xf32, #tpu.memory_space<vmem>>, vector<1x3x2048xf32>
    %get3A_3 = vector.shape_cast %get3A_2 : vector<1x3x2048xf32> to vector<3x2048xf32>
    %get3A_4 = arith.constant 0 : index
    %get3A_5 = arith.constant 0 : index
    %get3A_6 = arith.constant 0 : index
    %get3A_7 = vector.load %arg2[%get3A_4, %get3A_5, %get3A_6] : memref<1x2048x4xf32, #tpu.memory_space<vmem>>, vector<1x2048x4xf32>
    %get3A_8 = vector.shape_cast %get3A_7 : vector<1x2048x4xf32> to vector<2048x4xf32>
    %get3A_9 = arith.constant 0 : index
    %get3A_10 = arith.constant 0 : index
    %get3A_11 = arith.constant 0 : index
    %get3A_12 = vector.load %arg3[%get3A_9, %get3A_10, %get3A_11] : memref<1x128x1xi32, #tpu.memory_space<vmem>>, vector<1x128x1xi32>
    %get3A_13 = vector.shape_cast %get3A_12 : vector<1x128x1xi32> to vector<128x1xi32>
    %iota3A = tpu.iota {dimensions = array<i32: 1>} : vector<128x2048xi32>
    %eq3A = vector.broadcast %get3A_13 : vector<128x1xi32> to vector<128x2048xi32>
    %eq3A_14 = arith.cmpi eq, %iota3A, %eq3A : vector<128x2048xi32>
    %convert_element_type3A = arith.extui %eq3A_14 : vector<128x2048xi1> to vector<128x2048xi32>
    %convert_element_type3A_15 = arith.sitofp %convert_element_type3A : vector<128x2048xi32> to vector<128x2048xf32>
    %dot_general3A = arith.constant dense<0.000000e+00> : vector<128x4xf32>
    %dot_general3A_16 = tpu.matmul %convert_element_type3A_15, %get3A_8, %dot_general3A {dimension_numbers = #tpu.dot_dimension_numbers<[1], [0], [0], [1], [0, 0, 1, 1], [], []>, transpose_lhs_hint = false} : vector<128x2048xf32>, vector<2048x4xf32>, vector<128x4xf32> -> vector<128x4xf32>
    %slice3A = vector.extract_strided_slice %dot_general3A_16 {offsets = [0, 0], sizes = [128, 3], strides = [1, 1]} : vector<128x4xf32> to vector<128x3xf32>
    %mul3A = arith.mulf %get3A_3, %get3A_3 : vector<3x2048xf32>
    %reduce_sum3A = arith.constant dense<0.000000e+00> : vector<2048xf32>
    %reduce_sum3A_17 = vector.multi_reduction <add>, %mul3A, %reduce_sum3A [0] : vector<3x2048xf32> to vector<2048xf32>
    %broadcast_in_dim3A = vector.shape_cast %reduce_sum3A_17 : vector<2048xf32> to vector<1x2048xf32>
    %mul3A_18 = arith.mulf %slice3A, %slice3A : vector<128x3xf32>
    %reduce_sum3A_19 = arith.constant dense<0.000000e+00> : vector<128xf32>
    %reduce_sum3A_20 = vector.multi_reduction <add>, %mul3A_18, %reduce_sum3A_19 [1] : vector<128x3xf32> to vector<128xf32>
    %broadcast_in_dim3A_21 = vector.shape_cast %reduce_sum3A_20 : vector<128xf32> to vector<128x1xf32>
    %dot_general3A_22 = arith.constant dense<0.000000e+00> : vector<128x2048xf32>
    %dot_general3A_23 = tpu.matmul %slice3A, %get3A_3, %dot_general3A_22 {dimension_numbers = #tpu.dot_dimension_numbers<[1], [0], [0], [1], [0, 0, 1, 1], [], []>, transpose_lhs_hint = false} : vector<128x3xf32>, vector<3x2048xf32>, vector<128x2048xf32> -> vector<128x2048xf32>
    %mul3A_24 = arith.constant -2.000000e+00 : f32
    %mul3A_25 = vector.broadcast %mul3A_24 : f32 to vector<128x2048xf32>
    %mul3A_26 = arith.mulf %mul3A_25, %dot_general3A_23 : vector<128x2048xf32>
    %add3A = vector.broadcast %broadcast_in_dim3A_21 : vector<128x1xf32> to vector<128x2048xf32>
    %add3A_27 = arith.addf %mul3A_26, %add3A : vector<128x2048xf32>
    %add3A_28 = vector.broadcast %broadcast_in_dim3A : vector<1x2048xf32> to vector<128x2048xf32>
    %add3A_29 = arith.addf %add3A_27, %add3A_28 : vector<128x2048xf32>
    %reduce_min3A = arith.constant dense<0x7F800000> : vector<128xf32>
    %reduce_min3A_30 = vector.multi_reduction <minimumf>, %add3A_29, %reduce_min3A [1] : vector<128x2048xf32> to vector<128xf32>
    %broadcast_in_dim3A_31 = vector.shape_cast %reduce_min3A_30 : vector<128xf32> to vector<128x1xf32>
    %eq3A_32 = vector.broadcast %broadcast_in_dim3A_31 : vector<128x1xf32> to vector<128x2048xf32>
    %eq3A_33 = arith.cmpf oeq, %add3A_29, %eq3A_32 : vector<128x2048xf32>
    %jit3A = arith.constant 2048 : i32
    %broadcast_in_dim3A_34 = vector.broadcast %jit3A : i32 to vector<128x2048xi32>
    %select_n3A = arith.select %eq3A_33, %iota3A, %broadcast_in_dim3A_34 : vector<128x2048xi1>, vector<128x2048xi32>
    %reduce_min3A_35 = arith.constant dense<2147483647> : vector<128xi32>
    %reduce_min3A_36 = vector.multi_reduction <minsi>, %select_n3A, %reduce_min3A_35 [1] : vector<128x2048xi32> to vector<128xi32>
    %broadcast_in_dim3A_37 = vector.shape_cast %reduce_min3A_36 : vector<128xi32> to vector<128x1xi32>
    %eq3A_38 = vector.broadcast %broadcast_in_dim3A_37 : vector<128x1xi32> to vector<128x2048xi32>
    %eq3A_39 = arith.cmpi eq, %iota3A, %eq3A_38 : vector<128x2048xi32>
    %jit3A_40 = arith.constant 1.000000e+30 : f32
    %broadcast_in_dim3A_41 = vector.broadcast %jit3A_40 : f32 to vector<128x2048xf32>
    %select_n3A_42 = arith.select %eq3A_39, %broadcast_in_dim3A_41, %add3A_29 : vector<128x2048xi1>, vector<128x2048xf32>
    %reduce_min3A_43 = arith.constant dense<0x7F800000> : vector<128xf32>
    %reduce_min3A_44 = vector.multi_reduction <minimumf>, %select_n3A_42, %reduce_min3A_43 [1] : vector<128x2048xf32> to vector<128xf32>
    %broadcast_in_dim3A_45 = vector.shape_cast %reduce_min3A_44 : vector<128xf32> to vector<128x1xf32>
    %eq3A_46 = vector.broadcast %broadcast_in_dim3A_45 : vector<128x1xf32> to vector<128x2048xf32>
    %eq3A_47 = arith.cmpf oeq, %select_n3A_42, %eq3A_46 : vector<128x2048xf32>
    %jit3A_48 = arith.constant 2048 : i32
    %broadcast_in_dim3A_49 = vector.broadcast %jit3A_48 : i32 to vector<128x2048xi32>
    %select_n3A_50 = arith.select %eq3A_47, %iota3A, %broadcast_in_dim3A_49 : vector<128x2048xi1>, vector<128x2048xi32>
    %reduce_min3A_51 = arith.constant dense<2147483647> : vector<128xi32>
    %reduce_min3A_52 = vector.multi_reduction <minsi>, %select_n3A_50, %reduce_min3A_51 [1] : vector<128x2048xi32> to vector<128xi32>
    %broadcast_in_dim3A_53 = vector.shape_cast %reduce_min3A_52 : vector<128xi32> to vector<128x1xi32>
    %eq3A_54 = vector.broadcast %broadcast_in_dim3A_53 : vector<128x1xi32> to vector<128x2048xi32>
    %eq3A_55 = arith.cmpi eq, %iota3A, %eq3A_54 : vector<128x2048xi32>
    %jit3A_56 = arith.constant 1.000000e+30 : f32
    %broadcast_in_dim3A_57 = vector.broadcast %jit3A_56 : f32 to vector<128x2048xf32>
    %select_n3A_58 = arith.select %eq3A_55, %broadcast_in_dim3A_57, %select_n3A_42 : vector<128x2048xi1>, vector<128x2048xf32>
    %reduce_min3A_59 = arith.constant dense<0x7F800000> : vector<128xf32>
    %reduce_min3A_60 = vector.multi_reduction <minimumf>, %select_n3A_58, %reduce_min3A_59 [1] : vector<128x2048xf32> to vector<128xf32>
    %broadcast_in_dim3A_61 = vector.shape_cast %reduce_min3A_60 : vector<128xf32> to vector<128x1xf32>
    %eq3A_62 = vector.broadcast %broadcast_in_dim3A_61 : vector<128x1xf32> to vector<128x2048xf32>
    %eq3A_63 = arith.cmpf oeq, %select_n3A_58, %eq3A_62 : vector<128x2048xf32>
    %jit3A_64 = arith.constant 2048 : i32
    %broadcast_in_dim3A_65 = vector.broadcast %jit3A_64 : i32 to vector<128x2048xi32>
    %select_n3A_66 = arith.select %eq3A_63, %iota3A, %broadcast_in_dim3A_65 : vector<128x2048xi1>, vector<128x2048xi32>
    %reduce_min3A_67 = arith.constant dense<2147483647> : vector<128xi32>
    %reduce_min3A_68 = vector.multi_reduction <minsi>, %select_n3A_66, %reduce_min3A_67 [1] : vector<128x2048xi32> to vector<128xi32>
    %broadcast_in_dim3A_69 = vector.shape_cast %reduce_min3A_68 : vector<128xi32> to vector<128x1xi32>
    %eq3A_70 = vector.broadcast %broadcast_in_dim3A_69 : vector<128x1xi32> to vector<128x2048xi32>
    %eq3A_71 = arith.cmpi eq, %iota3A, %eq3A_70 : vector<128x2048xi32>
    %jit3A_72 = arith.constant 1.000000e+30 : f32
    %broadcast_in_dim3A_73 = vector.broadcast %jit3A_72 : f32 to vector<128x2048xf32>
    %select_n3A_74 = arith.select %eq3A_71, %broadcast_in_dim3A_73, %select_n3A_58 : vector<128x2048xi1>, vector<128x2048xf32>
    %reduce_min3A_75 = arith.constant dense<0x7F800000> : vector<128xf32>
    %reduce_min3A_76 = vector.multi_reduction <minimumf>, %select_n3A_74, %reduce_min3A_75 [1] : vector<128x2048xf32> to vector<128xf32>
    %broadcast_in_dim3A_77 = vector.shape_cast %reduce_min3A_76 : vector<128xf32> to vector<128x1xf32>
    %eq3A_78 = vector.broadcast %broadcast_in_dim3A_77 : vector<128x1xf32> to vector<128x2048xf32>
    %eq3A_79 = arith.cmpf oeq, %select_n3A_74, %eq3A_78 : vector<128x2048xf32>
    %jit3A_80 = arith.constant 2048 : i32
    %broadcast_in_dim3A_81 = vector.broadcast %jit3A_80 : i32 to vector<128x2048xi32>
    %select_n3A_82 = arith.select %eq3A_79, %iota3A, %broadcast_in_dim3A_81 : vector<128x2048xi1>, vector<128x2048xi32>
    %reduce_min3A_83 = arith.constant dense<2147483647> : vector<128xi32>
    %reduce_min3A_84 = vector.multi_reduction <minsi>, %select_n3A_82, %reduce_min3A_83 [1] : vector<128x2048xi32> to vector<128xi32>
    %broadcast_in_dim3A_85 = vector.shape_cast %reduce_min3A_84 : vector<128xi32> to vector<128x1xi32>
    %eq3A_86 = vector.broadcast %broadcast_in_dim3A_85 : vector<128x1xi32> to vector<128x2048xi32>
    %eq3A_87 = arith.cmpi eq, %iota3A, %eq3A_86 : vector<128x2048xi32>
    %jit3A_88 = arith.constant 1.000000e+30 : f32
    %broadcast_in_dim3A_89 = vector.broadcast %jit3A_88 : f32 to vector<128x2048xf32>
    %select_n3A_90 = arith.select %eq3A_87, %broadcast_in_dim3A_89, %select_n3A_74 : vector<128x2048xi1>, vector<128x2048xf32>
    %reduce_min3A_91 = arith.constant dense<0x7F800000> : vector<128xf32>
    %reduce_min3A_92 = vector.multi_reduction <minimumf>, %select_n3A_90, %reduce_min3A_91 [1] : vector<128x2048xf32> to vector<128xf32>
    %broadcast_in_dim3A_93 = vector.shape_cast %reduce_min3A_92 : vector<128xf32> to vector<128x1xf32>
    %eq3A_94 = vector.broadcast %broadcast_in_dim3A_93 : vector<128x1xf32> to vector<128x2048xf32>
    %eq3A_95 = arith.cmpf oeq, %select_n3A_90, %eq3A_94 : vector<128x2048xf32>
    %jit3A_96 = arith.constant 2048 : i32
    %broadcast_in_dim3A_97 = vector.broadcast %jit3A_96 : i32 to vector<128x2048xi32>
    %select_n3A_98 = arith.select %eq3A_95, %iota3A, %broadcast_in_dim3A_97 : vector<128x2048xi1>, vector<128x2048xi32>
    %reduce_min3A_99 = arith.constant dense<2147483647> : vector<128xi32>
    %reduce_min3A_100 = vector.multi_reduction <minsi>, %select_n3A_98, %reduce_min3A_99 [1] : vector<128x2048xi32> to vector<128xi32>
    %broadcast_in_dim3A_101 = vector.shape_cast %reduce_min3A_100 : vector<128xi32> to vector<128x1xi32>
    %eq3A_102 = vector.broadcast %broadcast_in_dim3A_101 : vector<128x1xi32> to vector<128x2048xi32>
    %eq3A_103 = arith.cmpi eq, %iota3A, %eq3A_102 : vector<128x2048xi32>
    %jit3A_104 = arith.constant 1.000000e+30 : f32
    %broadcast_in_dim3A_105 = vector.broadcast %jit3A_104 : f32 to vector<128x2048xf32>
    %select_n3A_106 = arith.select %eq3A_103, %broadcast_in_dim3A_105, %select_n3A_90 : vector<128x2048xi1>, vector<128x2048xf32>
    %reduce_min3A_107 = arith.constant dense<0x7F800000> : vector<128xf32>
    %reduce_min3A_108 = vector.multi_reduction <minimumf>, %select_n3A_106, %reduce_min3A_107 [1] : vector<128x2048xf32> to vector<128xf32>
    %broadcast_in_dim3A_109 = vector.shape_cast %reduce_min3A_108 : vector<128xf32> to vector<128x1xf32>
    %eq3A_110 = vector.broadcast %broadcast_in_dim3A_109 : vector<128x1xf32> to vector<128x2048xf32>
    %eq3A_111 = arith.cmpf oeq, %select_n3A_106, %eq3A_110 : vector<128x2048xf32>
    %jit3A_112 = arith.constant 2048 : i32
    %broadcast_in_dim3A_113 = vector.broadcast %jit3A_112 : i32 to vector<128x2048xi32>
    %select_n3A_114 = arith.select %eq3A_111, %iota3A, %broadcast_in_dim3A_113 : vector<128x2048xi1>, vector<128x2048xi32>
    %reduce_min3A_115 = arith.constant dense<2147483647> : vector<128xi32>
    %reduce_min3A_116 = vector.multi_reduction <minsi>, %select_n3A_114, %reduce_min3A_115 [1] : vector<128x2048xi32> to vector<128xi32>
    %broadcast_in_dim3A_117 = vector.shape_cast %reduce_min3A_116 : vector<128xi32> to vector<128x1xi32>
    %eq3A_118 = vector.broadcast %broadcast_in_dim3A_117 : vector<128x1xi32> to vector<128x2048xi32>
    %eq3A_119 = arith.cmpi eq, %iota3A, %eq3A_118 : vector<128x2048xi32>
    %jit3A_120 = arith.constant 1.000000e+30 : f32
    %broadcast_in_dim3A_121 = vector.broadcast %jit3A_120 : f32 to vector<128x2048xf32>
    %select_n3A_122 = arith.select %eq3A_119, %broadcast_in_dim3A_121, %select_n3A_106 : vector<128x2048xi1>, vector<128x2048xf32>
    %reduce_min3A_123 = arith.constant dense<0x7F800000> : vector<128xf32>
    %reduce_min3A_124 = vector.multi_reduction <minimumf>, %select_n3A_122, %reduce_min3A_123 [1] : vector<128x2048xf32> to vector<128xf32>
    %broadcast_in_dim3A_125 = vector.shape_cast %reduce_min3A_124 : vector<128xf32> to vector<128x1xf32>
    %eq3A_126 = vector.broadcast %broadcast_in_dim3A_125 : vector<128x1xf32> to vector<128x2048xf32>
    %eq3A_127 = arith.cmpf oeq, %select_n3A_122, %eq3A_126 : vector<128x2048xf32>
    %jit3A_128 = arith.constant 2048 : i32
    %broadcast_in_dim3A_129 = vector.broadcast %jit3A_128 : i32 to vector<128x2048xi32>
    %select_n3A_130 = arith.select %eq3A_127, %iota3A, %broadcast_in_dim3A_129 : vector<128x2048xi1>, vector<128x2048xi32>
    %reduce_min3A_131 = arith.constant dense<2147483647> : vector<128xi32>
    %reduce_min3A_132 = vector.multi_reduction <minsi>, %select_n3A_130, %reduce_min3A_131 [1] : vector<128x2048xi32> to vector<128xi32>
    %broadcast_in_dim3A_133 = vector.shape_cast %reduce_min3A_132 : vector<128xi32> to vector<128x1xi32>
    %eq3A_134 = vector.broadcast %broadcast_in_dim3A_133 : vector<128x1xi32> to vector<128x2048xi32>
    %eq3A_135 = arith.cmpi eq, %iota3A, %eq3A_134 : vector<128x2048xi32>
    %jit3A_136 = arith.constant 1.000000e+30 : f32
    %broadcast_in_dim3A_137 = vector.broadcast %jit3A_136 : f32 to vector<128x2048xf32>
    %select_n3A_138 = arith.select %eq3A_135, %broadcast_in_dim3A_137, %select_n3A_122 : vector<128x2048xi1>, vector<128x2048xf32>
    %reduce_min3A_139 = arith.constant dense<0x7F800000> : vector<128xf32>
    %reduce_min3A_140 = vector.multi_reduction <minimumf>, %select_n3A_138, %reduce_min3A_139 [1] : vector<128x2048xf32> to vector<128xf32>
    %broadcast_in_dim3A_141 = vector.shape_cast %reduce_min3A_140 : vector<128xf32> to vector<128x1xf32>
    %eq3A_142 = vector.broadcast %broadcast_in_dim3A_141 : vector<128x1xf32> to vector<128x2048xf32>
    %eq3A_143 = arith.cmpf oeq, %select_n3A_138, %eq3A_142 : vector<128x2048xf32>
    %jit3A_144 = arith.constant 2048 : i32
    %broadcast_in_dim3A_145 = vector.broadcast %jit3A_144 : i32 to vector<128x2048xi32>
    %select_n3A_146 = arith.select %eq3A_143, %iota3A, %broadcast_in_dim3A_145 : vector<128x2048xi1>, vector<128x2048xi32>
    %reduce_min3A_147 = arith.constant dense<2147483647> : vector<128xi32>
    %reduce_min3A_148 = vector.multi_reduction <minsi>, %select_n3A_146, %reduce_min3A_147 [1] : vector<128x2048xi32> to vector<128xi32>
    %broadcast_in_dim3A_149 = vector.shape_cast %reduce_min3A_148 : vector<128xi32> to vector<128x1xi32>
    %concatenate3A = tpu.concatenate %broadcast_in_dim3A_37, %broadcast_in_dim3A_53, %broadcast_in_dim3A_69, %broadcast_in_dim3A_85, %broadcast_in_dim3A_101, %broadcast_in_dim3A_117, %broadcast_in_dim3A_133, %broadcast_in_dim3A_149 in 0 : vector<128x1xi32>, vector<128x1xi32>, vector<128x1xi32>, vector<128x1xi32>, vector<128x1xi32>, vector<128x1xi32>, vector<128x1xi32>, vector<128x1xi32> -> vector<1024x1xi32>
    %iota3A_150 = tpu.iota {dimensions = array<i32: 1>} : vector<1024x2048xi32>
    %eq3A_151 = vector.broadcast %concatenate3A : vector<1024x1xi32> to vector<1024x2048xi32>
    %eq3A_152 = arith.cmpi eq, %iota3A_150, %eq3A_151 : vector<1024x2048xi32>
    %convert_element_type3A_153 = arith.extui %eq3A_152 : vector<1024x2048xi1> to vector<1024x2048xi32>
    %convert_element_type3A_154 = arith.sitofp %convert_element_type3A_153 : vector<1024x2048xi32> to vector<1024x2048xf32>
    %dot_general3A_155 = arith.constant dense<0.000000e+00> : vector<1024x4xf32>
    %dot_general3A_156 = tpu.matmul %convert_element_type3A_154, %get3A_8, %dot_general3A_155 {dimension_numbers = #tpu.dot_dimension_numbers<[1], [0], [0], [1], [0, 0, 1, 1], [], []>, transpose_lhs_hint = false} : vector<1024x2048xf32>, vector<2048x4xf32>, vector<1024x4xf32> -> vector<1024x4xf32>
    %concatenate3A_157 = tpu.concatenate %slice3A, %slice3A, %slice3A, %slice3A, %slice3A, %slice3A, %slice3A, %slice3A in 0 : vector<128x3xf32>, vector<128x3xf32>, vector<128x3xf32>, vector<128x3xf32>, vector<128x3xf32>, vector<128x3xf32>, vector<128x3xf32>, vector<128x3xf32> -> vector<1024x3xf32>
    %slice3A_158 = vector.extract_strided_slice %dot_general3A_156 {offsets = [0, 0], sizes = [1024, 3], strides = [1, 1]} : vector<1024x4xf32> to vector<1024x3xf32>
    %sub3A = arith.subf %slice3A_158, %concatenate3A_157 : vector<1024x3xf32>
    %get3A_159 = arith.constant 0 : index
    %get3A_160 = arith.constant 0 : index
    %get3A_161 = vector.load %arg4[%get3A_159, %get3A_160] : memref<3x64xf32, #tpu.memory_space<vmem>>, vector<3x64xf32>
    %dot_general3A_162 = arith.constant dense<0.000000e+00> : vector<1024x64xf32>
    %dot_general3A_163 = tpu.matmul %sub3A, %get3A_161, %dot_general3A_162 {dimension_numbers = #tpu.dot_dimension_numbers<[1], [0], [0], [1], [0, 0, 1, 1], [], []>, transpose_lhs_hint = false} : vector<1024x3xf32>, vector<3x64xf32>, vector<1024x64xf32> -> vector<1024x64xf32>
    %slice3A_164 = vector.extract_strided_slice %dot_general3A_156 {offsets = [0, 0], sizes = [1024, 3], strides = [1, 1]} : vector<1024x4xf32> to vector<1024x3xf32>
    %get3A_165 = arith.constant 0 : index
    %get3A_166 = arith.constant 0 : index
    %get3A_167 = vector.load %arg5[%get3A_165, %get3A_166] : memref<3x64xf32, #tpu.memory_space<vmem>>, vector<3x64xf32>
    %dot_general3A_168 = arith.constant dense<0.000000e+00> : vector<1024x64xf32>
    %dot_general3A_169 = tpu.matmul %slice3A_164, %get3A_167, %dot_general3A_168 {dimension_numbers = #tpu.dot_dimension_numbers<[1], [0], [0], [1], [0, 0, 1, 1], [], []>, transpose_lhs_hint = false} : vector<1024x3xf32>, vector<3x64xf32>, vector<1024x64xf32> -> vector<1024x64xf32>
    %add3A_170 = arith.addf %dot_general3A_163, %dot_general3A_169 : vector<1024x64xf32>
    %get3A_171 = arith.constant 0 : index
    %get3A_172 = arith.constant 0 : index
    %get3A_173 = vector.load %arg6[%get3A_171, %get3A_172] : memref<1x64xf32, #tpu.memory_space<vmem>>, vector<1x64xf32>
    %add3A_174 = vector.broadcast %get3A_173 : vector<1x64xf32> to vector<1024x64xf32>
    %add3A_175 = arith.addf %add3A_170, %add3A_174 : vector<1024x64xf32>
    %max3A = arith.constant 0.000000e+00 : f32
    %max3A_176 = vector.broadcast %max3A : f32 to vector<1024x64xf32>
    %max3A_177 = arith.maximumf %add3A_175, %max3A_176 : vector<1024x64xf32>
    %get3A_178 = arith.constant 0 : index
    %get3A_179 = arith.constant 0 : index
    %get3A_180 = vector.load %arg7[%get3A_178, %get3A_179] : memref<3x8xf32, #tpu.memory_space<vmem>>, vector<3x8xf32>
    %dot_general3A_181 = arith.constant dense<0.000000e+00> : vector<1024x8xf32>
    %dot_general3A_182 = tpu.matmul %sub3A, %get3A_180, %dot_general3A_181 {dimension_numbers = #tpu.dot_dimension_numbers<[1], [0], [0], [1], [0, 0, 1, 1], [], []>, transpose_lhs_hint = false} : vector<1024x3xf32>, vector<3x8xf32>, vector<1024x8xf32> -> vector<1024x8xf32>
    %get3A_183 = arith.constant 0 : index
    %get3A_184 = arith.constant 0 : index
    %get3A_185 = vector.load %arg8[%get3A_183, %get3A_184] : memref<1x8xf32, #tpu.memory_space<vmem>>, vector<1x8xf32>
    %add3A_186 = vector.broadcast %get3A_185 : vector<1x8xf32> to vector<1024x8xf32>
    %add3A_187 = arith.addf %dot_general3A_182, %add3A_186 : vector<1024x8xf32>
    %max3A_188 = arith.constant 0.000000e+00 : f32
    %max3A_189 = vector.broadcast %max3A_188 : f32 to vector<1024x8xf32>
    %max3A_190 = arith.maximumf %add3A_187, %max3A_189 : vector<1024x8xf32>
    %get3A_191 = arith.constant 0 : index
    %get3A_192 = arith.constant 0 : index
    %get3A_193 = vector.load %arg9[%get3A_191, %get3A_192] : memref<8x8xf32, #tpu.memory_space<vmem>>, vector<8x8xf32>
    %dot_general3A_194 = arith.constant dense<0.000000e+00> : vector<1024x8xf32>
    %dot_general3A_195 = tpu.matmul %max3A_190, %get3A_193, %dot_general3A_194 {dimension_numbers = #tpu.dot_dimension_numbers<[1], [0], [0], [1], [0, 0, 1, 1], [], []>, transpose_lhs_hint = false} : vector<1024x8xf32>, vector<8x8xf32>, vector<1024x8xf32> -> vector<1024x8xf32>
    %get3A_196 = arith.constant 0 : index
    %get3A_197 = arith.constant 0 : index
    %get3A_198 = vector.load %arg10[%get3A_196, %get3A_197] : memref<1x8xf32, #tpu.memory_space<vmem>>, vector<1x8xf32>
    %add3A_199 = vector.broadcast %get3A_198 : vector<1x8xf32> to vector<1024x8xf32>
    %add3A_200 = arith.addf %dot_general3A_195, %add3A_199 : vector<1024x8xf32>
    %max3A_201 = arith.constant 0.000000e+00 : f32
    %max3A_202 = vector.broadcast %max3A_201 : f32 to vector<1024x8xf32>
    %max3A_203 = arith.maximumf %add3A_200, %max3A_202 : vector<1024x8xf32>
    %get3A_204 = arith.constant 0 : index
    %get3A_205 = arith.constant 0 : index
    %get3A_206 = vector.load %arg11[%get3A_204, %get3A_205] : memref<8x16xf32, #tpu.memory_space<vmem>>, vector<8x16xf32>
    %dot_general3A_207 = arith.constant dense<0.000000e+00> : vector<1024x16xf32>
    %dot_general3A_208 = tpu.matmul %max3A_203, %get3A_206, %dot_general3A_207 {dimension_numbers = #tpu.dot_dimension_numbers<[1], [0], [0], [1], [0, 0, 1, 1], [], []>, transpose_lhs_hint = false} : vector<1024x8xf32>, vector<8x16xf32>, vector<1024x16xf32> -> vector<1024x16xf32>
    %get3A_209 = arith.constant 0 : index
    %get3A_210 = arith.constant 0 : index
    %get3A_211 = vector.load %arg12[%get3A_209, %get3A_210] : memref<1x16xf32, #tpu.memory_space<vmem>>, vector<1x16xf32>
    %add3A_212 = vector.broadcast %get3A_211 : vector<1x16xf32> to vector<1024x16xf32>
    %add3A_213 = arith.addf %dot_general3A_208, %add3A_212 : vector<1024x16xf32>
    %max3A_214 = arith.constant 0.000000e+00 : f32
    %max3A_215 = vector.broadcast %max3A_214 : f32 to vector<1024x16xf32>
    %max3A_216 = arith.maximumf %add3A_213, %max3A_215 : vector<1024x16xf32>
    %slice3A_217 = vector.extract_strided_slice %dot_general3A_156 {offsets = [0, 3], sizes = [1024, 1], strides = [1, 1]} : vector<1024x4xf32> to vector<1024x1xf32>
    %slice3A_218 = vector.extract_strided_slice %slice3A_217 {offsets = [0, 0], sizes = [128, 1], strides = [1, 1]} : vector<1024x1xf32> to vector<128x1xf32>
    %slice3A_219 = vector.extract_strided_slice %slice3A_217 {offsets = [128, 0], sizes = [128, 1], strides = [1, 1]} : vector<1024x1xf32> to vector<128x1xf32>
    %max3A_220 = arith.maximumf %slice3A_218, %slice3A_219 : vector<128x1xf32>
    %slice3A_221 = vector.extract_strided_slice %slice3A_217 {offsets = [256, 0], sizes = [128, 1], strides = [1, 1]} : vector<1024x1xf32> to vector<128x1xf32>
    %max3A_222 = arith.maximumf %max3A_220, %slice3A_221 : vector<128x1xf32>
    %slice3A_223 = vector.extract_strided_slice %slice3A_217 {offsets = [384, 0], sizes = [128, 1], strides = [1, 1]} : vector<1024x1xf32> to vector<128x1xf32>
    %max3A_224 = arith.maximumf %max3A_222, %slice3A_223 : vector<128x1xf32>
    %slice3A_225 = vector.extract_strided_slice %slice3A_217 {offsets = [512, 0], sizes = [128, 1], strides = [1, 1]} : vector<1024x1xf32> to vector<128x1xf32>
    %max3A_226 = arith.maximumf %max3A_224, %slice3A_225 : vector<128x1xf32>
    %slice3A_227 = vector.extract_strided_slice %slice3A_217 {offsets = [640, 0], sizes = [128, 1], strides = [1, 1]} : vector<1024x1xf32> to vector<128x1xf32>
    %max3A_228 = arith.maximumf %max3A_226, %slice3A_227 : vector<128x1xf32>
    %slice3A_229 = vector.extract_strided_slice %slice3A_217 {offsets = [768, 0], sizes = [128, 1], strides = [1, 1]} : vector<1024x1xf32> to vector<128x1xf32>
    %max3A_230 = arith.maximumf %max3A_228, %slice3A_229 : vector<128x1xf32>
    %slice3A_231 = vector.extract_strided_slice %slice3A_217 {offsets = [896, 0], sizes = [128, 1], strides = [1, 1]} : vector<1024x1xf32> to vector<128x1xf32>
    %max3A_232 = arith.maximumf %max3A_230, %slice3A_231 : vector<128x1xf32>
    %concatenate3A_233 = tpu.concatenate %max3A_232, %max3A_232, %max3A_232, %max3A_232, %max3A_232, %max3A_232, %max3A_232, %max3A_232 in 0 : vector<128x1xf32>, vector<128x1xf32>, vector<128x1xf32>, vector<128x1xf32>, vector<128x1xf32>, vector<128x1xf32>, vector<128x1xf32>, vector<128x1xf32> -> vector<1024x1xf32>
    %div3A = arith.divf %slice3A_217, %concatenate3A_233 : vector<1024x1xf32>
    %get3A_234 = arith.constant 0 : index
    %get3A_235 = arith.constant 0 : index
    %get3A_236 = vector.load %arg13[%get3A_234, %get3A_235] : memref<1x16xf32, #tpu.memory_space<vmem>>, vector<1x16xf32>
    %mul3A_237 = vector.broadcast %div3A : vector<1024x1xf32> to vector<1024x16xf32>
    %mul3A_238 = vector.broadcast %get3A_236 : vector<1x16xf32> to vector<1024x16xf32>
    %mul3A_239 = arith.mulf %mul3A_237, %mul3A_238 : vector<1024x16xf32>
    %get3A_240 = arith.constant 0 : index
    %get3A_241 = arith.constant 0 : index
    %get3A_242 = vector.load %arg14[%get3A_240, %get3A_241] : memref<1x16xf32, #tpu.memory_space<vmem>>, vector<1x16xf32>
    %add3A_243 = vector.broadcast %get3A_242 : vector<1x16xf32> to vector<1024x16xf32>
    %add3A_244 = arith.addf %mul3A_239, %add3A_243 : vector<1024x16xf32>
    %max3A_245 = arith.constant 0.000000e+00 : f32
    %max3A_246 = vector.broadcast %max3A_245 : f32 to vector<1024x16xf32>
    %max3A_247 = arith.maximumf %add3A_244, %max3A_246 : vector<1024x16xf32>
    %get3A_248 = arith.constant 0 : index
    %get3A_249 = arith.constant 0 : index
    %get3A_250 = vector.load %arg15[%get3A_248, %get3A_249] : memref<16x8xf32, #tpu.memory_space<vmem>>, vector<16x8xf32>
    %dot_general3A_251 = arith.constant dense<0.000000e+00> : vector<1024x8xf32>
    %dot_general3A_252 = tpu.matmul %max3A_247, %get3A_250, %dot_general3A_251 {dimension_numbers = #tpu.dot_dimension_numbers<[1], [0], [0], [1], [0, 0, 1, 1], [], []>, transpose_lhs_hint = false} : vector<1024x16xf32>, vector<16x8xf32>, vector<1024x8xf32> -> vector<1024x8xf32>
    %get3A_253 = arith.constant 0 : index
    %get3A_254 = arith.constant 0 : index
    %get3A_255 = vector.load %arg16[%get3A_253, %get3A_254] : memref<1x8xf32, #tpu.memory_space<vmem>>, vector<1x8xf32>
    %add3A_256 = vector.broadcast %get3A_255 : vector<1x8xf32> to vector<1024x8xf32>
    %add3A_257 = arith.addf %dot_general3A_252, %add3A_256 : vector<1024x8xf32>
    %max3A_258 = arith.constant 0.000000e+00 : f32
    %max3A_259 = vector.broadcast %max3A_258 : f32 to vector<1024x8xf32>
    %max3A_260 = arith.maximumf %add3A_257, %max3A_259 : vector<1024x8xf32>
    %get3A_261 = arith.constant 0 : index
    %get3A_262 = arith.constant 0 : index
    %get3A_263 = vector.load %arg17[%get3A_261, %get3A_262] : memref<8x1xf32, #tpu.memory_space<vmem>>, vector<8x1xf32>
    %dot_general3A_264 = arith.constant dense<0.000000e+00> : vector<1024x1xf32>
    %dot_general3A_265 = tpu.matmul %max3A_260, %get3A_263, %dot_general3A_264 {dimension_numbers = #tpu.dot_dimension_numbers<[1], [0], [0], [1], [0, 0, 1, 1], [], []>, transpose_lhs_hint = false} : vector<1024x8xf32>, vector<8x1xf32>, vector<1024x1xf32> -> vector<1024x1xf32>
    %get3A_266 = arith.constant 0 : index
    %get3A_267 = arith.constant 0 : index
    %get3A_268 = vector.load %arg18[%get3A_266, %get3A_267] : memref<1x1xf32, #tpu.memory_space<vmem>>, vector<1x1xf32>
    %add3A_269 = vector.broadcast %get3A_268 : vector<1x1xf32> to vector<1024x1xf32>
    %add3A_270 = arith.addf %dot_general3A_265, %add3A_269 : vector<1024x1xf32>
    %neg3A = arith.constant 0.000000e+00 : f32
    %neg3A_271 = vector.broadcast %neg3A : f32 to vector<1024x1xf32>
    %neg3A_272 = arith.subf %neg3A_271, %add3A_270 : vector<1024x1xf32>
    %exp3A = math.exp %neg3A_272 : vector<1024x1xf32>
    %add3A_273 = arith.constant 1.000000e+00 : f32
    %add3A_274 = vector.broadcast %add3A_273 : f32 to vector<1024x1xf32>
    %add3A_275 = arith.addf %add3A_274, %exp3A : vector<1024x1xf32>
    %div3A_276 = arith.constant 1.000000e+00 : f32
    %div3A_277 = vector.broadcast %div3A_276 : f32 to vector<1024x1xf32>
    %div3A_278 = arith.divf %div3A_277, %add3A_275 : vector<1024x1xf32>
    %mul3A_279 = vector.broadcast %div3A_278 : vector<1024x1xf32> to vector<1024x64xf32>
    %mul3A_280 = arith.mulf %max3A_177, %mul3A_279 : vector<1024x64xf32>
    %get3A_281 = arith.constant 0 : index
    %get3A_282 = arith.constant 0 : index
    %get3A_283 = vector.load %arg21[%get3A_281, %get3A_282] : memref<16x1024xf32, #tpu.memory_space<vmem>>, vector<16x1024xf32>
    %dot_general3A_284 = arith.constant dense<0.000000e+00> : vector<1024x1024xf32>
    %dot_general3A_285 = tpu.matmul %max3A_216, %get3A_283, %dot_general3A_284 {dimension_numbers = #tpu.dot_dimension_numbers<[1], [0], [0], [1], [0, 0, 1, 1], [], []>, transpose_lhs_hint = false} : vector<1024x16xf32>, vector<16x1024xf32>, vector<1024x1024xf32> -> vector<1024x1024xf32>
    %get3A_286 = arith.constant 0 : index
    %get3A_287 = arith.constant 0 : index
    %get3A_288 = vector.load %arg22[%get3A_286, %get3A_287] : memref<64x1024xf32, #tpu.memory_space<vmem>>, vector<64x1024xf32>
    %dot_general3A_289 = arith.constant dense<0.000000e+00> : vector<1024x1024xf32>
    %dot_general3A_290 = tpu.matmul %mul3A_280, %get3A_288, %dot_general3A_289 {dimension_numbers = #tpu.dot_dimension_numbers<[1], [0], [0], [1], [0, 0, 1, 1], [], []>, transpose_lhs_hint = false} : vector<1024x64xf32>, vector<64x1024xf32>, vector<1024x1024xf32> -> vector<1024x1024xf32>
    %mul3A_291 = arith.mulf %dot_general3A_285, %dot_general3A_290 : vector<1024x1024xf32>
    %get3A_292 = arith.constant 0 : index
    %get3A_293 = arith.constant 0 : index
    %get3A_294 = vector.load %arg19[%get3A_292, %get3A_293] : memref<1024x64xf32, #tpu.memory_space<vmem>>, vector<1024x64xf32>
    %dot_general3A_295 = arith.constant dense<0.000000e+00> : vector<1024x64xf32>
    %dot_general3A_296 = tpu.matmul %mul3A_291, %get3A_294, %dot_general3A_295 {dimension_numbers = #tpu.dot_dimension_numbers<[1], [0], [0], [1], [0, 0, 1, 1], [], []>, transpose_lhs_hint = false} : vector<1024x1024xf32>, vector<1024x64xf32>, vector<1024x64xf32> -> vector<1024x64xf32>
    %slice3A_297 = vector.extract_strided_slice %dot_general3A_296 {offsets = [0, 0], sizes = [128, 64], strides = [1, 1]} : vector<1024x64xf32> to vector<128x64xf32>
    %slice3A_298 = vector.extract_strided_slice %dot_general3A_296 {offsets = [128, 0], sizes = [128, 64], strides = [1, 1]} : vector<1024x64xf32> to vector<128x64xf32>
    %add3A_299 = arith.addf %slice3A_297, %slice3A_298 : vector<128x64xf32>
    %slice3A_300 = vector.extract_strided_slice %dot_general3A_296 {offsets = [256, 0], sizes = [128, 64], strides = [1, 1]} : vector<1024x64xf32> to vector<128x64xf32>
    %add3A_301 = arith.addf %add3A_299, %slice3A_300 : vector<128x64xf32>
    %slice3A_302 = vector.extract_strided_slice %dot_general3A_296 {offsets = [384, 0], sizes = [128, 64], strides = [1, 1]} : vector<1024x64xf32> to vector<128x64xf32>
    %add3A_303 = arith.addf %add3A_301, %slice3A_302 : vector<128x64xf32>
    %slice3A_304 = vector.extract_strided_slice %dot_general3A_296 {offsets = [512, 0], sizes = [128, 64], strides = [1, 1]} : vector<1024x64xf32> to vector<128x64xf32>
    %add3A_305 = arith.addf %add3A_303, %slice3A_304 : vector<128x64xf32>
    %slice3A_306 = vector.extract_strided_slice %dot_general3A_296 {offsets = [640, 0], sizes = [128, 64], strides = [1, 1]} : vector<1024x64xf32> to vector<128x64xf32>
    %add3A_307 = arith.addf %add3A_305, %slice3A_306 : vector<128x64xf32>
    %slice3A_308 = vector.extract_strided_slice %dot_general3A_296 {offsets = [768, 0], sizes = [128, 64], strides = [1, 1]} : vector<1024x64xf32> to vector<128x64xf32>
    %add3A_309 = arith.addf %add3A_307, %slice3A_308 : vector<128x64xf32>
    %slice3A_310 = vector.extract_strided_slice %dot_general3A_296 {offsets = [896, 0], sizes = [128, 64], strides = [1, 1]} : vector<1024x64xf32> to vector<128x64xf32>
    %add3A_311 = arith.addf %add3A_309, %slice3A_310 : vector<128x64xf32>
    %get3A_312 = arith.constant 0 : index
    %get3A_313 = arith.constant 0 : index
    %get3A_314 = vector.load %arg20[%get3A_312, %get3A_313] : memref<1x64xf32, #tpu.memory_space<vmem>>, vector<1x64xf32>
    %add3A_315 = vector.broadcast %get3A_314 : vector<1x64xf32> to vector<128x64xf32>
    %add3A_316 = arith.addf %add3A_311, %add3A_315 : vector<128x64xf32>
    %max3A_317 = arith.constant 0.000000e+00 : f32
    %max3A_318 = vector.broadcast %max3A_317 : f32 to vector<128x64xf32>
    %max3A_319 = arith.maximumf %add3A_316, %max3A_318 : vector<128x64xf32>
    %mul3A_320 = arith.mulf %slice3A, %slice3A : vector<128x3xf32>
    %reduce_sum3A_321 = arith.constant dense<0.000000e+00> : vector<128xf32>
    %reduce_sum3A_322 = vector.multi_reduction <add>, %mul3A_320, %reduce_sum3A_321 [1] : vector<128x3xf32> to vector<128xf32>
    %broadcast_in_dim3A_323 = vector.shape_cast %reduce_sum3A_322 : vector<128xf32> to vector<128x1xf32>
    %broadcast_in_dim3A_324 = arith.constant 1.000000e+00 : f32
    %broadcast_in_dim3A_325 = vector.broadcast %broadcast_in_dim3A_324 : f32 to vector<1x3xf32>
    %dot_general3A_326 = arith.constant dense<0.000000e+00> : vector<1x128xf32>
    %dot_general3A_327 = tpu.matmul %broadcast_in_dim3A_325, %mul3A_320, %dot_general3A_326 {dimension_numbers = #tpu.dot_dimension_numbers<[1], [1], [0], [0], [0, 0, 1, 0], [], []>, transpose_lhs_hint = false} : vector<1x3xf32>, vector<128x3xf32>, vector<1x128xf32> -> vector<1x128xf32>
    %dot_general3A_328 = arith.constant dense<0.000000e+00> : vector<128x128xf32>
    %dot_general3A_329 = tpu.matmul %slice3A, %slice3A, %dot_general3A_328 {dimension_numbers = #tpu.dot_dimension_numbers<[1], [1], [0], [0], [0, 0, 1, 0], [], []>, transpose_lhs_hint = false} : vector<128x3xf32>, vector<128x3xf32>, vector<128x128xf32> -> vector<128x128xf32>
    %mul3A_330 = arith.constant -2.000000e+00 : f32
    %mul3A_331 = vector.broadcast %mul3A_330 : f32 to vector<128x128xf32>
    %mul3A_332 = arith.mulf %mul3A_331, %dot_general3A_329 : vector<128x128xf32>
    %add3A_333 = vector.broadcast %broadcast_in_dim3A_323 : vector<128x1xf32> to vector<128x128xf32>
    %add3A_334 = arith.addf %mul3A_332, %add3A_333 : vector<128x128xf32>
    %add3A_335 = vector.broadcast %dot_general3A_327 : vector<1x128xf32> to vector<128x128xf32>
    %add3A_336 = arith.addf %add3A_334, %add3A_335 : vector<128x128xf32>
    %mul3A_337 = arith.constant -1.250000e+01 : f32
    %mul3A_338 = vector.broadcast %mul3A_337 : f32 to vector<128x128xf32>
    %mul3A_339 = arith.mulf %add3A_336, %mul3A_338 : vector<128x128xf32>
    %exp3A_340 = math.exp %mul3A_339 : vector<128x128xf32>
    %mul3A_341 = arith.constant 2.000000e+00 : f32
    %mul3A_342 = vector.broadcast %mul3A_341 : f32 to vector<128x128xf32>
    %mul3A_343 = arith.mulf %exp3A_340, %mul3A_342 : vector<128x128xf32>
    %reduce_sum3A_344 = arith.constant dense<0.000000e+00> : vector<128xf32>
    %reduce_sum3A_345 = vector.multi_reduction <add>, %mul3A_343, %reduce_sum3A_344 [1] : vector<128x128xf32> to vector<128xf32>
    %broadcast_in_dim3A_346 = vector.shape_cast %reduce_sum3A_345 : vector<128xf32> to vector<128x1xf32>
    %mul3A_347 = arith.constant 7.812500e-03 : f32
    %mul3A_348 = vector.broadcast %mul3A_347 : f32 to vector<128x1xf32>
    %mul3A_349 = arith.mulf %broadcast_in_dim3A_346, %mul3A_348 : vector<128x1xf32>
    %div3A_350 = arith.constant 1.000000e+00 : f32
    %div3A_351 = vector.broadcast %div3A_350 : f32 to vector<128x1xf32>
    %div3A_352 = arith.divf %div3A_351, %mul3A_349 : vector<128x1xf32>
    %reduce_max3A = vector.shape_cast %div3A_352 : vector<128x1xf32> to vector<1x128x1xf32>
    %reduce_max3A_353 = arith.constant dense<0xFF800000> : vector<1xf32>
    %reduce_max3A_354 = vector.multi_reduction <maximumf>, %reduce_max3A, %reduce_max3A_353 [1, 2] : vector<1x128x1xf32> to vector<1xf32>
    %reduce_max3A_355 = vector.shape_cast %reduce_max3A_354 : vector<1xf32> to vector<1x1x1xf32>
    %reduce_max3A_356 = vector.extract %reduce_max3A_355[0, 0, 0] : f32 from vector<1x1x1xf32>
    %div3A_357 = vector.broadcast %reduce_max3A_356 : f32 to vector<128x1xf32>
    %div3A_358 = arith.divf %div3A_352, %div3A_357 : vector<128x1xf32>
    %get3A_359 = arith.constant 0 : index
    %get3A_360 = arith.constant 0 : index
    %get3A_361 = vector.load %arg31[%get3A_359, %get3A_360] : memref<1x16xf32, #tpu.memory_space<vmem>>, vector<1x16xf32>
    %mul3A_362 = vector.broadcast %div3A_358 : vector<128x1xf32> to vector<128x16xf32>
    %mul3A_363 = vector.broadcast %get3A_361 : vector<1x16xf32> to vector<128x16xf32>
    %mul3A_364 = arith.mulf %mul3A_362, %mul3A_363 : vector<128x16xf32>
    %get3A_365 = arith.constant 0 : index
    %get3A_366 = arith.constant 0 : index
    %get3A_367 = vector.load %arg32[%get3A_365, %get3A_366] : memref<1x16xf32, #tpu.memory_space<vmem>>, vector<1x16xf32>
    %add3A_368 = vector.broadcast %get3A_367 : vector<1x16xf32> to vector<128x16xf32>
    %add3A_369 = arith.addf %mul3A_364, %add3A_368 : vector<128x16xf32>
    %max3A_370 = arith.constant 0.000000e+00 : f32
    %max3A_371 = vector.broadcast %max3A_370 : f32 to vector<128x16xf32>
    %max3A_372 = arith.maximumf %add3A_369, %max3A_371 : vector<128x16xf32>
    %get3A_373 = arith.constant 0 : index
    %get3A_374 = arith.constant 0 : index
    %get3A_375 = vector.load %arg33[%get3A_373, %get3A_374] : memref<16x8xf32, #tpu.memory_space<vmem>>, vector<16x8xf32>
    %dot_general3A_376 = arith.constant dense<0.000000e+00> : vector<128x8xf32>
    %dot_general3A_377 = tpu.matmul %max3A_372, %get3A_375, %dot_general3A_376 {dimension_numbers = #tpu.dot_dimension_numbers<[1], [0], [0], [1], [0, 0, 1, 1], [], []>, transpose_lhs_hint = false} : vector<128x16xf32>, vector<16x8xf32>, vector<128x8xf32> -> vector<128x8xf32>
    %get3A_378 = arith.constant 0 : index
    %get3A_379 = arith.constant 0 : index
    %get3A_380 = vector.load %arg34[%get3A_378, %get3A_379] : memref<1x8xf32, #tpu.memory_space<vmem>>, vector<1x8xf32>
    %add3A_381 = vector.broadcast %get3A_380 : vector<1x8xf32> to vector<128x8xf32>
    %add3A_382 = arith.addf %dot_general3A_377, %add3A_381 : vector<128x8xf32>
    %max3A_383 = arith.constant 0.000000e+00 : f32
    %max3A_384 = vector.broadcast %max3A_383 : f32 to vector<128x8xf32>
    %max3A_385 = arith.maximumf %add3A_382, %max3A_384 : vector<128x8xf32>
    %get3A_386 = arith.constant 0 : index
    %get3A_387 = arith.constant 0 : index
    %get3A_388 = vector.load %arg35[%get3A_386, %get3A_387] : memref<8x1xf32, #tpu.memory_space<vmem>>, vector<8x1xf32>
    %dot_general3A_389 = arith.constant dense<0.000000e+00> : vector<128x1xf32>
    %dot_general3A_390 = tpu.matmul %max3A_385, %get3A_388, %dot_general3A_389 {dimension_numbers = #tpu.dot_dimension_numbers<[1], [0], [0], [1], [0, 0, 1, 1], [], []>, transpose_lhs_hint = false} : vector<128x8xf32>, vector<8x1xf32>, vector<128x1xf32> -> vector<128x1xf32>
    %get3A_391 = arith.constant 0 : index
    %get3A_392 = arith.constant 0 : index
    %get3A_393 = vector.load %arg36[%get3A_391, %get3A_392] : memref<1x1xf32, #tpu.memory_space<vmem>>, vector<1x1xf32>
    %add3A_394 = vector.broadcast %get3A_393 : vector<1x1xf32> to vector<128x1xf32>
    %add3A_395 = arith.addf %dot_general3A_390, %add3A_394 : vector<128x1xf32>
    %neg3A_396 = arith.constant 0.000000e+00 : f32
    %neg3A_397 = vector.broadcast %neg3A_396 : f32 to vector<128x1xf32>
    %neg3A_398 = arith.subf %neg3A_397, %add3A_395 : vector<128x1xf32>
    %exp3A_399 = math.exp %neg3A_398 : vector<128x1xf32>
    %add3A_400 = arith.constant 1.000000e+00 : f32
    %add3A_401 = vector.broadcast %add3A_400 : f32 to vector<128x1xf32>
    %add3A_402 = arith.addf %add3A_401, %exp3A_399 : vector<128x1xf32>
    %div3A_403 = arith.constant 1.000000e+00 : f32
    %div3A_404 = vector.broadcast %div3A_403 : f32 to vector<128x1xf32>
    %div3A_405 = arith.divf %div3A_404, %add3A_402 : vector<128x1xf32>
    %get3A_406 = arith.constant 0 : index
    %get3A_407 = arith.constant 0 : index
    %get3A_408 = vector.load %arg23[%get3A_406, %get3A_407] : memref<67x16xf32, #tpu.memory_space<vmem>>, vector<3x16xf32>
    %dot_general3A_409 = arith.constant dense<0.000000e+00> : vector<128x16xf32>
    %dot_general3A_410 = tpu.matmul %slice3A, %get3A_408, %dot_general3A_409 {dimension_numbers = #tpu.dot_dimension_numbers<[1], [0], [0], [1], [0, 0, 1, 1], [], []>, transpose_lhs_hint = false} : vector<128x3xf32>, vector<3x16xf32>, vector<128x16xf32> -> vector<128x16xf32>
    %get3A_411 = arith.constant 3 : index
    %get3A_412 = arith.constant 0 : index
    %get3A_413 = vector.load %arg23[%get3A_411, %get3A_412] : memref<67x16xf32, #tpu.memory_space<vmem>>, vector<64x16xf32>
    %dot_general3A_414 = arith.constant dense<0.000000e+00> : vector<128x16xf32>
    %dot_general3A_415 = tpu.matmul %max3A_319, %get3A_413, %dot_general3A_414 {dimension_numbers = #tpu.dot_dimension_numbers<[1], [0], [0], [1], [0, 0, 1, 1], [], []>, transpose_lhs_hint = false} : vector<128x64xf32>, vector<64x16xf32>, vector<128x16xf32> -> vector<128x16xf32>
    %add3A_416 = arith.addf %dot_general3A_410, %dot_general3A_415 : vector<128x16xf32>
    %get3A_417 = arith.constant 0 : index
    %get3A_418 = arith.constant 0 : index
    %get3A_419 = vector.load %arg24[%get3A_417, %get3A_418] : memref<1x16xf32, #tpu.memory_space<vmem>>, vector<1x16xf32>
    %add3A_420 = vector.broadcast %get3A_419 : vector<1x16xf32> to vector<128x16xf32>
    %add3A_421 = arith.addf %add3A_416, %add3A_420 : vector<128x16xf32>
    %max3A_422 = arith.constant 0.000000e+00 : f32
    %max3A_423 = vector.broadcast %max3A_422 : f32 to vector<128x16xf32>
    %max3A_424 = arith.maximumf %add3A_421, %max3A_423 : vector<128x16xf32>
    %mul3A_425 = vector.broadcast %div3A_405 : vector<128x1xf32> to vector<128x16xf32>
    %mul3A_426 = arith.mulf %max3A_424, %mul3A_425 : vector<128x16xf32>
    %get3A_427 = arith.constant 0 : index
    %get3A_428 = arith.constant 0 : index
    %get3A_429 = vector.load %arg25[%get3A_427, %get3A_428] : memref<3x8xf32, #tpu.memory_space<vmem>>, vector<3x8xf32>
    %dot_general3A_430 = arith.constant dense<0.000000e+00> : vector<128x8xf32>
    %dot_general3A_431 = tpu.matmul %slice3A, %get3A_429, %dot_general3A_430 {dimension_numbers = #tpu.dot_dimension_numbers<[1], [0], [0], [1], [0, 0, 1, 1], [], []>, transpose_lhs_hint = false} : vector<128x3xf32>, vector<3x8xf32>, vector<128x8xf32> -> vector<128x8xf32>
    %get3A_432 = arith.constant 0 : index
    %get3A_433 = arith.constant 0 : index
    %get3A_434 = vector.load %arg26[%get3A_432, %get3A_433] : memref<1x8xf32, #tpu.memory_space<vmem>>, vector<1x8xf32>
    %add3A_435 = vector.broadcast %get3A_434 : vector<1x8xf32> to vector<128x8xf32>
    %add3A_436 = arith.addf %dot_general3A_431, %add3A_435 : vector<128x8xf32>
    %max3A_437 = arith.constant 0.000000e+00 : f32
    %max3A_438 = vector.broadcast %max3A_437 : f32 to vector<128x8xf32>
    %max3A_439 = arith.maximumf %add3A_436, %max3A_438 : vector<128x8xf32>
    %get3A_440 = arith.constant 0 : index
    %get3A_441 = arith.constant 0 : index
    %get3A_442 = vector.load %arg27[%get3A_440, %get3A_441] : memref<8x8xf32, #tpu.memory_space<vmem>>, vector<8x8xf32>
    %dot_general3A_443 = arith.constant dense<0.000000e+00> : vector<128x8xf32>
    %dot_general3A_444 = tpu.matmul %max3A_439, %get3A_442, %dot_general3A_443 {dimension_numbers = #tpu.dot_dimension_numbers<[1], [0], [0], [1], [0, 0, 1, 1], [], []>, transpose_lhs_hint = false} : vector<128x8xf32>, vector<8x8xf32>, vector<128x8xf32> -> vector<128x8xf32>
    %get3A_445 = arith.constant 0 : index
    %get3A_446 = arith.constant 0 : index
    %get3A_447 = vector.load %arg28[%get3A_445, %get3A_446] : memref<1x8xf32, #tpu.memory_space<vmem>>, vector<1x8xf32>
    %add3A_448 = vector.broadcast %get3A_447 : vector<1x8xf32> to vector<128x8xf32>
    %add3A_449 = arith.addf %dot_general3A_444, %add3A_448 : vector<128x8xf32>
    %max3A_450 = arith.constant 0.000000e+00 : f32
    %max3A_451 = vector.broadcast %max3A_450 : f32 to vector<128x8xf32>
    %max3A_452 = arith.maximumf %add3A_449, %max3A_451 : vector<128x8xf32>
    %get3A_453 = arith.constant 0 : index
    %get3A_454 = arith.constant 0 : index
    %get3A_455 = vector.load %arg29[%get3A_453, %get3A_454] : memref<8x16xf32, #tpu.memory_space<vmem>>, vector<8x16xf32>
    %dot_general3A_456 = arith.constant dense<0.000000e+00> : vector<128x16xf32>
    %dot_general3A_457 = tpu.matmul %max3A_452, %get3A_455, %dot_general3A_456 {dimension_numbers = #tpu.dot_dimension_numbers<[1], [0], [0], [1], [0, 0, 1, 1], [], []>, transpose_lhs_hint = false} : vector<128x8xf32>, vector<8x16xf32>, vector<128x16xf32> -> vector<128x16xf32>
    %get3A_458 = arith.constant 0 : index
    %get3A_459 = arith.constant 0 : index
    %get3A_460 = vector.load %arg30[%get3A_458, %get3A_459] : memref<1x16xf32, #tpu.memory_space<vmem>>, vector<1x16xf32>
    %add3A_461 = vector.broadcast %get3A_460 : vector<1x16xf32> to vector<128x16xf32>
    %add3A_462 = arith.addf %dot_general3A_457, %add3A_461 : vector<128x16xf32>
    %max3A_463 = arith.constant 0.000000e+00 : f32
    %max3A_464 = vector.broadcast %max3A_463 : f32 to vector<128x16xf32>
    %max3A_465 = arith.maximumf %add3A_462, %max3A_464 : vector<128x16xf32>
    %get3A_466 = arith.constant 0 : index
    %get3A_467 = arith.constant 0 : index
    %get3A_468 = vector.load %arg39[%get3A_466, %get3A_467] : memref<16x256xf32, #tpu.memory_space<vmem>>, vector<16x256xf32>
    %dot_general3A_469 = arith.constant dense<0.000000e+00> : vector<128x256xf32>
    %dot_general3A_470 = tpu.matmul %max3A_465, %get3A_468, %dot_general3A_469 {dimension_numbers = #tpu.dot_dimension_numbers<[1], [0], [0], [1], [0, 0, 1, 1], [], []>, transpose_lhs_hint = false} : vector<128x16xf32>, vector<16x256xf32>, vector<128x256xf32> -> vector<128x256xf32>
    %get3A_471 = arith.constant 0 : index
    %get3A_472 = arith.constant 0 : index
    %get3A_473 = vector.load %arg40[%get3A_471, %get3A_472] : memref<16x256xf32, #tpu.memory_space<vmem>>, vector<16x256xf32>
    %dot_general3A_474 = arith.constant dense<0.000000e+00> : vector<128x256xf32>
    %dot_general3A_475 = tpu.matmul %mul3A_426, %get3A_473, %dot_general3A_474 {dimension_numbers = #tpu.dot_dimension_numbers<[1], [0], [0], [1], [0, 0, 1, 1], [], []>, transpose_lhs_hint = false} : vector<128x16xf32>, vector<16x256xf32>, vector<128x256xf32> -> vector<128x256xf32>
    %mul3A_476 = arith.mulf %dot_general3A_470, %dot_general3A_475 : vector<128x256xf32>
    %reduce_sum3A_477 = arith.constant dense<0.000000e+00> : vector<256xf32>
    %reduce_sum3A_478 = vector.multi_reduction <add>, %mul3A_476, %reduce_sum3A_477 [0] : vector<128x256xf32> to vector<256xf32>
    %broadcast_in_dim3A_479 = vector.shape_cast %reduce_sum3A_478 : vector<256xf32> to vector<1x256xf32>
    %get3A_480 = arith.constant 0 : index
    %get3A_481 = arith.constant 0 : index
    %get3A_482 = vector.load %arg37[%get3A_480, %get3A_481] : memref<256x16xf32, #tpu.memory_space<vmem>>, vector<256x16xf32>
    %dot_general3A_483 = arith.constant dense<0.000000e+00> : vector<1x16xf32>
    %dot_general3A_484 = tpu.matmul %broadcast_in_dim3A_479, %get3A_482, %dot_general3A_483 {dimension_numbers = #tpu.dot_dimension_numbers<[1], [0], [0], [1], [0, 0, 1, 1], [], []>, transpose_lhs_hint = false} : vector<1x256xf32>, vector<256x16xf32>, vector<1x16xf32> -> vector<1x16xf32>
    %get3A_485 = arith.constant 0 : index
    %get3A_486 = arith.constant 0 : index
    %get3A_487 = vector.load %arg38[%get3A_485, %get3A_486] : memref<1x16xf32, #tpu.memory_space<vmem>>, vector<1x16xf32>
    %add3A_488 = arith.addf %dot_general3A_484, %get3A_487 : vector<1x16xf32>
    %max3A_489 = arith.constant 0.000000e+00 : f32
    %max3A_490 = vector.broadcast %max3A_489 : f32 to vector<1x16xf32>
    %max3A_491 = arith.maximumf %add3A_488, %max3A_490 : vector<1x16xf32>
    %swap3A = arith.constant 0 : index
    %swap3A_492 = arith.constant 0 : index
    %swap3A_493 = arith.constant 0 : index
    %swap3A_494 = vector.load %arg41[%swap3A, %swap3A_492, %swap3A_493] : memref<1x1x16xf32, #tpu.memory_space<vmem>>, vector<1x1x16xf32>
    %swap3A_495 = vector.shape_cast %swap3A_494 : vector<1x1x16xf32> to vector<1x16xf32>
    %swap3A_496 = vector.shape_cast %max3A_491 : vector<1x16xf32> to vector<1x1x16xf32>
    tpu.vector_store %arg41[%swap3A, %swap3A_492, %swap3A_493], %swap3A_496 {strides = array<i32>} : memref<1x1x16xf32, #tpu.memory_space<vmem>>, vector<1x1x16xf32>,
    return
  }
  func.func @transform_0(%arg0: i32) -> (i32, i32, i32) {
    %c0_i32 = arith.constant 0 : i32
    %c0_i32_0 = arith.constant 0 : i32
    %c0_i32_1 = arith.constant 0 : i32
    return %arg0, %c0_i32, %c0_i32_0 : i32, i32, i32
  }
  func.func @transform_1(%arg0: i32) -> (i32, i32, i32) {
    %c0_i32 = arith.constant 0 : i32
    %c0_i32_0 = arith.constant 0 : i32
    %c0_i32_1 = arith.constant 0 : i32
    return %arg0, %c0_i32, %c0_i32_0 : i32, i32, i32
  }
  func.func @transform_2(%arg0: i32) -> (i32, i32, i32) {
    %c0_i32 = arith.constant 0 : i32
    %c0_i32_0 = arith.constant 0 : i32
    %c0_i32_1 = arith.constant 0 : i32
    return %arg0, %c0_i32, %c0_i32_0 : i32, i32, i32
  }
  func.func @transform_3(%arg0: i32) -> (i32, i32) {
    %c0_i32 = arith.constant 0 : i32
    %c0_i32_0 = arith.constant 0 : i32
    %c0_i32_1 = arith.constant 0 : i32
    return %c0_i32, %c0_i32_0 : i32, i32
  }
  func.func @transform_4(%arg0: i32) -> (i32, i32) {
    %c0_i32 = arith.constant 0 : i32
    %c0_i32_0 = arith.constant 0 : i32
    %c0_i32_1 = arith.constant 0 : i32
    return %c0_i32, %c0_i32_0 : i32, i32
  }
  func.func @transform_5(%arg0: i32) -> (i32, i32) {
    %c0_i32 = arith.constant 0 : i32
    %c0_i32_0 = arith.constant 0 : i32
    %c0_i32_1 = arith.constant 0 : i32
    return %c0_i32, %c0_i32_0 : i32, i32
  }
  func.func @transform_6(%arg0: i32) -> (i32, i32) {
    %c0_i32 = arith.constant 0 : i32
    %c0_i32_0 = arith.constant 0 : i32
    %c0_i32_1 = arith.constant 0 : i32
    return %c0_i32, %c0_i32_0 : i32, i32
  }
  func.func @transform_7(%arg0: i32) -> (i32, i32) {
    %c0_i32 = arith.constant 0 : i32
    %c0_i32_0 = arith.constant 0 : i32
    %c0_i32_1 = arith.constant 0 : i32
    return %c0_i32, %c0_i32_0 : i32, i32
  }
  func.func @transform_8(%arg0: i32) -> (i32, i32) {
    %c0_i32 = arith.constant 0 : i32
    %c0_i32_0 = arith.constant 0 : i32
    %c0_i32_1 = arith.constant 0 : i32
    return %c0_i32, %c0_i32_0 : i32, i32
  }
  func.func @transform_9(%arg0: i32) -> (i32, i32) {
    %c0_i32 = arith.constant 0 : i32
    %c0_i32_0 = arith.constant 0 : i32
    %c0_i32_1 = arith.constant 0 : i32
    return %c0_i32, %c0_i32_0 : i32, i32
  }
  func.func @transform_10(%arg0: i32) -> (i32, i32) {
    %c0_i32 = arith.constant 0 : i32
    %c0_i32_0 = arith.constant 0 : i32
    %c0_i32_1 = arith.constant 0 : i32
    return %c0_i32, %c0_i32_0 : i32, i32
  }
  func.func @transform_11(%arg0: i32) -> (i32, i32) {
    %c0_i32 = arith.constant 0 : i32
    %c0_i32_0 = arith.constant 0 : i32
    %c0_i32_1 = arith.constant 0 : i32
    return %c0_i32, %c0_i32_0 : i32, i32
  }
  func.func @transform_12(%arg0: i32) -> (i32, i32) {
    %c0_i32 = arith.constant 0 : i32
    %c0_i32_0 = arith.constant 0 : i32
    %c0_i32_1 = arith.constant 0 : i32
    return %c0_i32, %c0_i32_0 : i32, i32
  }
  func.func @transform_13(%arg0: i32) -> (i32, i32) {
    %c0_i32 = arith.constant 0 : i32
    %c0_i32_0 = arith.constant 0 : i32
    %c0_i32_1 = arith.constant 0 : i32
    return %c0_i32, %c0_i32_0 : i32, i32
  }
  func.func @transform_14(%arg0: i32) -> (i32, i32) {
    %c0_i32 = arith.constant 0 : i32
    %c0_i32_0 = arith.constant 0 : i32
    %c0_i32_1 = arith.constant 0 : i32
    return %c0_i32, %c0_i32_0 : i32, i32
  }
  func.func @transform_15(%arg0: i32) -> (i32, i32) {
    %c0_i32 = arith.constant 0 : i32
    %c0_i32_0 = arith.constant 0 : i32
    %c0_i32_1 = arith.constant 0 : i32
    return %c0_i32, %c0_i32_0 : i32, i32
  }
  func.func @transform_16(%arg0: i32) -> (i32, i32) {
    %c0_i32 = arith.constant 0 : i32
    %c0_i32_0 = arith.constant 0 : i32
    %c0_i32_1 = arith.constant 0 : i32
    return %c0_i32, %c0_i32_0 : i32, i32
  }
  func.func @transform_17(%arg0: i32) -> (i32, i32) {
    %c0_i32 = arith.constant 0 : i32
    %c0_i32_0 = arith.constant 0 : i32
    %c0_i32_1 = arith.constant 0 : i32
    return %c0_i32, %c0_i32_0 : i32, i32
  }
  func.func @transform_18(%arg0: i32) -> (i32, i32) {
    %c0_i32 = arith.constant 0 : i32
    %c0_i32_0 = arith.constant 0 : i32
    %c0_i32_1 = arith.constant 0 : i32
    return %c0_i32, %c0_i32_0 : i32, i32
  }
  func.func @transform_19(%arg0: i32) -> (i32, i32) {
    %c0_i32 = arith.constant 0 : i32
    %c0_i32_0 = arith.constant 0 : i32
    %c0_i32_1 = arith.constant 0 : i32
    return %c0_i32, %c0_i32_0 : i32, i32
  }
  func.func @transform_20(%arg0: i32) -> (i32, i32) {
    %c0_i32 = arith.constant 0 : i32
    %c0_i32_0 = arith.constant 0 : i32
    %c0_i32_1 = arith.constant 0 : i32
    return %c0_i32, %c0_i32_0 : i32, i32
  }
  func.func @transform_21(%arg0: i32) -> (i32, i32) {
    %c0_i32 = arith.constant 0 : i32
    %c0_i32_0 = arith.constant 0 : i32
    %c0_i32_1 = arith.constant 0 : i32
    return %c0_i32, %c0_i32_0 : i32, i32
  }
  func.func @transform_22(%arg0: i32) -> (i32, i32) {
    %c0_i32 = arith.constant 0 : i32
    %c0_i32_0 = arith.constant 0 : i32
    %c0_i32_1 = arith.constant 0 : i32
    return %c0_i32, %c0_i32_0 : i32, i32
  }
  func.func @transform_23(%arg0: i32) -> (i32, i32) {
    %c0_i32 = arith.constant 0 : i32
    %c0_i32_0 = arith.constant 0 : i32
    %c0_i32_1 = arith.constant 0 : i32
    return %c0_i32, %c0_i32_0 : i32, i32
  }
  func.func @transform_24(%arg0: i32) -> (i32, i32) {
    %c0_i32 = arith.constant 0 : i32
    %c0_i32_0 = arith.constant 0 : i32
    %c0_i32_1 = arith.constant 0 : i32
    return %c0_i32, %c0_i32_0 : i32, i32
  }
  func.func @transform_25(%arg0: i32) -> (i32, i32) {
    %c0_i32 = arith.constant 0 : i32
    %c0_i32_0 = arith.constant 0 : i32
    %c0_i32_1 = arith.constant 0 : i32
    return %c0_i32, %c0_i32_0 : i32, i32
  }
  func.func @transform_26(%arg0: i32) -> (i32, i32) {
    %c0_i32 = arith.constant 0 : i32
    %c0_i32_0 = arith.constant 0 : i32
    %c0_i32_1 = arith.constant 0 : i32
    return %c0_i32, %c0_i32_0 : i32, i32
  }
  func.func @transform_27(%arg0: i32) -> (i32, i32) {
    %c0_i32 = arith.constant 0 : i32
    %c0_i32_0 = arith.constant 0 : i32
    %c0_i32_1 = arith.constant 0 : i32
    return %c0_i32, %c0_i32_0 : i32, i32
  }
  func.func @transform_28(%arg0: i32) -> (i32, i32) {
    %c0_i32 = arith.constant 0 : i32
    %c0_i32_0 = arith.constant 0 : i32
    %c0_i32_1 = arith.constant 0 : i32
    return %c0_i32, %c0_i32_0 : i32, i32
  }
  func.func @transform_29(%arg0: i32) -> (i32, i32) {
    %c0_i32 = arith.constant 0 : i32
    %c0_i32_0 = arith.constant 0 : i32
    %c0_i32_1 = arith.constant 0 : i32
    return %c0_i32, %c0_i32_0 : i32, i32
  }
  func.func @transform_30(%arg0: i32) -> (i32, i32) {
    %c0_i32 = arith.constant 0 : i32
    %c0_i32_0 = arith.constant 0 : i32
    %c0_i32_1 = arith.constant 0 : i32
    return %c0_i32, %c0_i32_0 : i32, i32
  }
  func.func @transform_31(%arg0: i32) -> (i32, i32) {
    %c0_i32 = arith.constant 0 : i32
    %c0_i32_0 = arith.constant 0 : i32
    %c0_i32_1 = arith.constant 0 : i32
    return %c0_i32, %c0_i32_0 : i32, i32
  }
  func.func @transform_32(%arg0: i32) -> (i32, i32) {
    %c0_i32 = arith.constant 0 : i32
    %c0_i32_0 = arith.constant 0 : i32
    %c0_i32_1 = arith.constant 0 : i32
    return %c0_i32, %c0_i32_0 : i32, i32
  }
  func.func @transform_33(%arg0: i32) -> (i32, i32) {
    %c0_i32 = arith.constant 0 : i32
    %c0_i32_0 = arith.constant 0 : i32
    %c0_i32_1 = arith.constant 0 : i32
    return %c0_i32, %c0_i32_0 : i32, i32
  }
  func.func @transform_34(%arg0: i32) -> (i32, i32) {
    %c0_i32 = arith.constant 0 : i32
    %c0_i32_0 = arith.constant 0 : i32
    %c0_i32_1 = arith.constant 0 : i32
    return %c0_i32, %c0_i32_0 : i32, i32
  }
  func.func @transform_35(%arg0: i32) -> (i32, i32) {
    %c0_i32 = arith.constant 0 : i32
    %c0_i32_0 = arith.constant 0 : i32
    %c0_i32_1 = arith.constant 0 : i32
    return %c0_i32, %c0_i32_0 : i32, i32
  }
  func.func @transform_36(%arg0: i32) -> (i32, i32) {
    %c0_i32 = arith.constant 0 : i32
    %c0_i32_0 = arith.constant 0 : i32
    %c0_i32_1 = arith.constant 0 : i32
    return %c0_i32, %c0_i32_0 : i32, i32
  }
  func.func @transform_37(%arg0: i32) -> (i32, i32) {
    %c0_i32 = arith.constant 0 : i32
    %c0_i32_0 = arith.constant 0 : i32
    %c0_i32_1 = arith.constant 0 : i32
    return %c0_i32, %c0_i32_0 : i32, i32
  }
  func.func @transform_38(%arg0: i32) -> (i32, i32) {
    %c0_i32 = arith.constant 0 : i32
    %c0_i32_0 = arith.constant 0 : i32
    %c0_i32_1 = arith.constant 0 : i32
    return %c0_i32, %c0_i32_0 : i32, i32
  }
  func.func @transform_39(%arg0: i32) -> (i32, i32) {
    %c0_i32 = arith.constant 0 : i32
    %c0_i32_0 = arith.constant 0 : i32
    %c0_i32_1 = arith.constant 0 : i32
    return %c0_i32, %c0_i32_0 : i32, i32
  }
  func.func @transform_40(%arg0: i32) -> (i32, i32, i32) {
    %c0_i32 = arith.constant 0 : i32
    %c0_i32_0 = arith.constant 0 : i32
    %c0_i32_1 = arith.constant 0 : i32
    return %arg0, %c0_i32, %c0_i32_0 : i32, i32, i32
  }
}

</mosaic_0001>

<sc_bundles>
// kernel: kernel.5.cloned.1.call-start
scs
__scs_entry_jumppad:
0x0: {  	(pc) =	sbr.rel $0x88, $3  }
0x1: {  	(tag) =	ssettag $0x0;
	lr =	simm.s32 $0x1  }
0x2: {  	[smem:$0x3F60] =	sst lr;
	_ =	strace $0xD0000000  }
0x3: {  	_ = 	snop  }
0x4: {  	_ = 	snop  }
0x5: {  	_ = 	snop  }
0x6: {  	_ = 	snop  }
0x7: {  	_ = 	snop  }
__scs_overlays_trampoline_lowered:
0x8: {  	[smem:$0x3F6F] =	sst s0  }
0x9: {  	[smem:$0x3F70] =	sst s1  }
0xa: {  	[smem:$0x3F71] =	sst s2  }
0xb: {  	[smem:$0x3F72] =	sst s3  }
0xc: {  	[smem:$0x3F73] =	sst s4  }
0xd: {  	[smem:$0x3F74] =	sst s5  }
0xe: {  	[smem:$0x3F75] =	sst s6  }
0xf: {  	[smem:$0x3F76] =	sst s7  }
0x10: {  	[smem:$0x3F77] =	sst s8  }
0x11: {  	[smem:$0x3F78] =	sst s9;
	s0 =	simm.s32 @!p0 $0x0  }
0x12: {  	s1 =	sld [smem:$0x3F5E];
	s0 =	simm.s32 @p0 $0x1  }
0x13: {  	[smem:$0x3F79] =	sst s0;
	s0 =	simm.s32 @!p1 $0x0  }
0x14: {  	s2 =	sld [smem:$0x3F5D];
	s0 =	simm.s32 @p1 $0x1  }
0x15: {  	[smem:$0x3F7A] =	sst s0;
	s0 =	simm.s32 @!p2 $0x0  }
0x16: {  	s3 =	sld [smem:$0x3FDB];
	s0 =	simm.s32 @p2 $0x1  }
0x17: {  	s4 =	simm.s32 $0x1BF5;
	[smem:$0x3F7C] =	sst s0  }
0x18: {  	s0 =	sld [smem:$0x3F5F];
	_ =	swait.ge [sflag:s4], $0x0  }
0x19: {  	s7 =	sld [smem:$0x3F60]  }
0x1a: {  	s8 =	sadd.s32 $0xFFFFE003, lr  }
0x1b: {  	s9 =	sadd.s32 $0xFFFFFEF7, lr;
	s5 =	simm.s32 $0xFFFFFFFF;
	p2 =	slt.u32 s8, $0xFFFFF086  }
0x1c: {  	p1 =	slt.u32 s9, $0xF7A;
	s5 =	simm.s32 @!p2 $0x0  }
0x1d: {  	s5 =	simm.s32 @p1 $0x1;
	p0 =	seq.s32 s7, s2  }
0x1e: {  	s7 =	smul.u32 @!p0 $0xF7A, s2;
	p2 =	seq.s32 @!p0 s5, $0x0  }
0x1f: {  	s9 =	smul.u32 $0xF7A, s1;
	s8 =	simm.s32 @!p0 $0x1BF5;
	p2 =	por !p2, p0  }
0x20: {  	[sflag:s8] =	ssyncset.s32 @!p0 $0xFFFFF086;
	s6 =	sadd.s32 @!p0 s3, s7;
	s7 =	simm.s32 @!p0 $0x108  }
0x21: {  	s3 =	sadd.s32 s3, s9;
	s6 =	sadd.s32 @!p0 $0x88, s6;
	s7 =	simm.s32 @p2 $0x1082  }
0x22: {  	[simem:s7], [sflag:s8] =	dma.local @!p0 [hbm:s6], $0xF7A  }
0x23: {  	s9 =	sor.u32 $0xD0000000, s2;
	s6 =	simm.s32 $0x108;
	_ =	swait.ge @!p0 [sflag:s8], $0x0  }
0x24: {  	s3 =	sadd.s32 $0x88, s3;
	s6 =	simm.s32 @!p1 $0x1082;
	[sflag:s4] =	ssyncset.s32 $0xFFFFF086  }
0x25: {  	[simem:s6], [sflag:s4] =	dma.local [hbm:s3], $0xF7A  }
0x26: {  	[smem:$0x3F60] =	sst s1;
	(tag) =	ssettag s2;
	_ =	strace s9  }
0x27: {  	s1 =	sld [smem:$0x3F70]  }
0x28: {  	s2 =	sld [smem:$0x3F71]  }
0x29: {  	s4 =	sld [smem:$0x3F73]  }
0x2a: {  	p0 =	seq.s32 s5, $0x0;
	s5 =	sld [smem:$0x3F74]  }
0x2b: {  	s6 =	sld [smem:$0x3F75]  }
0x2c: {  	s7 =	sld [smem:$0x3F76]  }
0x2d: {  	s3 =	simm.s32 $0x108;
	s8 =	sld [smem:$0x3F77]  }
0x2e: {  	s3 =	simm.s32 @!p0 $0x1082;
	s9 =	sld [smem:$0x3F78]  }
0x2f: {  	lr =	sadd.s32 s0, s3;
	s0 =	sld [smem:$0x3F6F]  }
0x30: {  	s3 =	sld [smem:$0x3F72]  }
0x31: {  	[smem:$0x3F7B] =	sst s10  }
0x32: {  	s10 =	sld [smem:$0x3F79];
	_ =	sdelay $0x3  }
0x33: {  	p0 =	seq.s32 s10, $0x1;
	s10 =	sld [smem:$0x3F7B];
	_ =	sdelay $0x3  }
0x34: {  	[smem:$0x3F7B] =	sst s10  }
0x35: {  	s10 =	sld [smem:$0x3F7A];
	_ =	sdelay $0x3  }
0x36: {  	p1 =	seq.s32 s10, $0x1;
	s10 =	sld [smem:$0x3F7B];
	_ =	sdelay $0x3  }
0x37: {  	[smem:$0x3F7B] =	sst s10  }
0x38: {  	s10 =	sld [smem:$0x3F7C]  }
0x39: {  	_ = 	snop;
	(pc) =	sbr.ind lr, $3  }
0x3a: {  	_ = 	snop  }
0x3b: {  	_ = 	snop  }
0x3c: {  	p2 =	seq.s32 s10, $0x1;
	s10 =	sld [smem:$0x3F7B]  }
0x3d: {  	_ =	shalt  }
0x3e: {  	_ =	shalt  }
0x3f: {  	_ =	shalt  }
0x40: {  	_ =	shalt  }
0x41: {  	_ =	shalt  }
0x42: {  	_ =	shalt  }
0x43: {  	_ =	shalt  }
0x44: {  	_ =	shalt  }
0x45: {  	_ =	shalt  }
0x46: {  	_ =	shalt  }
0x47: {  	_ =	shalt  }
0x48: {  	_ =	shalt  }
0x49: {  	_ =	shalt  }
0x4a: {  	_ =	shalt  }
0x4b: {  	_ =	shalt  }
0x4c: {  	_ =	shalt  }
0x4d: {  	_ =	shalt  }
0x4e: {  	_ =	shalt  }
0x4f: {  	_ =	shalt  }
0x50: {  	_ =	shalt  }
0x51: {  	_ =	shalt  }
0x52: {  	_ =	shalt  }
0x53: {  	_ =	shalt  }
0x54: {  	_ =	shalt  }
0x55: {  	_ =	shalt  }
0x56: {  	_ =	shalt  }
0x57: {  	_ =	shalt  }
0x58: {  	_ =	shalt  }
0x59: {  	_ =	shalt  }
0x5a: {  	_ =	shalt  }
0x5b: {  	_ =	shalt  }
0x5c: {  	_ =	shalt  }
0x5d: {  	_ =	shalt  }
0x5e: {  	_ =	shalt  }
0x5f: {  	_ =	shalt  }
0x60: {  	_ =	shalt  }
0x61: {  	_ =	shalt  }
0x62: {  	_ =	shalt  }
0x63: {  	_ =	shalt  }
0x64: {  	_ =	shalt  }
0x65: {  	_ =	shalt  }
0x66: {  	_ =	shalt  }
0x67: {  	_ =	shalt  }
0x68: {  	_ =	shalt  }
0x69: {  	_ =	shalt  }
0x6a: {  	_ =	shalt  }
0x6b: {  	_ =	shalt  }
0x6c: {  	_ =	shalt  }
0x6d: {  	_ =	shalt  }
0x6e: {  	_ =	shalt  }
0x6f: {  	_ =	shalt  }
0x70: {  	_ =	shalt  }
0x71: {  	_ =	shalt  }
0x72: {  	_ =	shalt  }
0x73: {  	_ =	shalt  }
0x74: {  	_ =	shalt  }
0x75: {  	_ =	shalt  }
0x76: {  	_ =	shalt  }
0x77: {  	_ =	shalt  }
0x78: {  	_ =	shalt  }
0x79: {  	_ =	shalt  }
0x7a: {  	_ =	shalt  }
0x7b: {  	_ =	shalt  }
0x7c: {  	_ =	shalt  }
0x7d: {  	_ =	shalt  }
0x7e: {  	_ =	shalt  }
0x7f: {  	_ =	shalt  }
0x80: {  	_ =	shalt  }
0x81: {  	_ =	shalt  }
0x82: {  	_ =	shalt  }
0x83: {  	_ =	shalt  }
0x84: {  	_ =	shalt  }
0x85: {  	_ =	shalt  }
0x86: {  	_ =	shalt  }
0x87: {  	_ =	shalt  }
.Lfunc_end0:
.L_simem_size_0:
called_computation_lowered:
.L_overlay_start_0:
0x88: {  	s2 =	sld [smem:$0x3FD9]  }
0x89: {  	s3 =	sld [smem:$0x3FFE];
	_ =	sdelay $0x1  }
0x8a: {  	s1 =	srdreg.scid  }
0x8b: {  	s0 =	sand.u32 $0x1, s1  }
0x8c: {  	s17 =	sshll.u32 s0, $0xA;
	s2 =	sadd.s32 s3, s2  }
0x8d: {  	s2 =	sadd.s32 s2, s17  }
0x8e: {  	[smem:$0x3F87] =	sst s2  }
0x8f: {  	_ = 	snop  }
0x90: {  	s2 =	sld [smem:$0x3FD0];
	(tm) =	ssettm $0x1  }
0x91: {  	s18 =	sld [smem:$0x3FFB];
	_ =	sdelay $0x3  }
0x92: {  	_ =	strace s18  }
0x93: {  	s3 =	sld [smem:$0x3FFC];
	_ =	sdelay $0x3  }
0x94: {  	_ =	strace s3  }
0x95: {  	s3 =	sld [smem:$0x3FFD];
	_ =	sdelay $0x3  }
0x96: {  	_ =	strace s3  }
0x97: {  	_ =	strace $0x8FFFFFFF  }
0x98: {  	s19 =	sld [smem:$0x3FDB];
	_ =	sdelay $0x1  }
0x99: {  	s4 =	simm.s32 $_scs_section_size  }
0x9a: {  	s5 =	simm.s32 $_size__tile_overlayer_lowered;
	s6 =	simm.s32 $_tile_overlayer_lowered  }
0x9b: {  	s22 =	simm.s32 $0x1BFF;
	s21 =	sshll.u32 s6, $0x1;
	s3 =	sadd.s32 s4, s19  }
0x9c: {  	s7 =	simm.s32 $0x0;
	s20 =	sshll.u32 s5, $0x1;
	s5 =	sadd.s32 s21, s3  }
0x9d: {  	[timem:s7], [sflag:s22] =	dma.local [hbm:s5], s20  }
0x9e: {  	_ =	swait.ge [sflag:s22], s20  }
0x9f: {  	s4 =	ssub.s32 $0x0, s20;
	[sflag:s22] =	ssyncset.done $0x0  }
0xa0: {  	[sflag:s22] =	ssyncadd.s32 s4;
	_ =	sdelay $0x1  }
0xa1: {  	s23 =	simm.s32 $0x1B8B  }
0xa2: {  	_ =	swait.ge [sflag:s23], $0x1  }
0xa3: {  	[sflag:s23] =	ssyncset.done $0x0  }
0xa4: {  	s25 =	simm.s32 $0x1B8E;
	s24 =	sld [smem:$0x3FFE];
	[sflag:s23] =	ssyncadd.s32 $0xFFFFFFFF  }
0xa5: {  	s26 =	simm.s32 $execute0_lowered;
	[smem:$0x3FD2] =	sst s25  }
0xa6: {  	s5 =	sshll.u32 s26, $0x1;
	_ =	strace $0x80000046;
	[dreg:$0x1] =	wrdreg $0xFFFFFFFF  }
0xa7: {  	s28 =	simm.s32 $_size_execute0_lowered;
	s3 =	sadd.s32 s3, s5;
	[dreg:$0x0] =	wrdreg $0x0  }
0xa8: {  	s5 =	sshll.u32 s28, $0x1;
	[dreg:$0x2] =	wrdreg s3  }
0xa9: {  	[dreg:$0x3] =	wrdreg s5  }
0xaa: {  	[dreg:$0x4] =	wrdreg $0xC0  }
0xab: {  	_ =	task [dreg:s7], $0x5FFFF  }
0xac: {  	[dreg:$0x1] =	wrdreg $0xFFFFFFFF  }
0xad: {  	[dreg:$0x0] =	wrdreg $0x60  }
0xae: {  	[dreg:$0x2] =	wrdreg s24  }
0xaf: {  	[dreg:$0x3] =	wrdreg s2  }
0xb0: {  	[dreg:$0x4] =	wrdreg $0x9  }
0xb1: {  	_ =	task.clear_ibuf [dreg:s7], $0x5FFFF;
	_ =	strace $0x90000046  }
0xb2: {  	s29 =	simm.s32 $0x9;
	_ =	strace $0x80000048  }
0xb3: {  	_ =	swait.ge [sflag:s29], $0x1  }
0xb4: {  	[sflag:s29] =	ssyncadd.s32 $0xFFFFFFFF  }
0xb5: {  	_ =	strace $0x90000048  }
0xb6: {  	_ =	sfence  }
0xb7: {  	s30 =	sld [smem:$0x0];
	_ =	sdelay $0x2  }
0xb8: {  	s31 =	sshll.u32 s1, $0xD;
	s1 =	sshrl.u32 s1, $0x2  }
0xb9: {  	s3 =	sand.u32 $0x4000, s31;
	s1 =	sadd.s32 s1, s30  }
0xba: {  	s0 =	sor.u32 s3, s0;
	s1 =	sshll.u32 s1, $0x11  }
0xbb: {  	s0 =	sor.u32 s1, s0  }
0xbc: {  	s0 =	sadd.s32 $0x8F2B, s0  }
0xbd: {  	[sflag:s0] =	ssyncadd.remote.s32 $0x1  }
0xbe: {  	_ =	sfence.sel $0xFFFF  }
0xbf: {  	[dreg:$0x0] =	wrdreg $0xFFFFFFFF;
	(pc) =	sbr.abs _section_cstart, $3  }
0xc0: {  	[dreg:$0x1] =	wrdreg $0xFFFFFFFF  }
0xc1: {  	_ =	task.clear_ibuf [dreg:s7], $0x2FFFF;
	_ =	strace $0x9FFFFFFF  }
0xc2: {  	(tm) =	ssettm $0x7FFFFFFF  }
0xc3: {  	_ =	shalt  }
tec
execute0_lowered:
.L_overlay_start_1:
0x0: {  	(tag) =	ssettag $0x1  }
0x1: {  	s1 =	stileid.u32  }
0x2: {  	p0 =	sgt.u32 s1, $0x3  }
.Ltmp0:
0x3: {  	_ = 	snop;
	(pc) =	sbr.rel @p0 .LBB2_9-.Ltmp0, $4  }
0x4: {  	s3 =	rddreg [dreg:$0x0]  }
0x5: {  	s5 =	rddreg [dreg:$0x1];
	s2 =	simm.s32 $0x0  }
0x6: {  	[smem:$0x7FF] =	sst s2  }
0x7: {  	s0 =	rddreg [dreg:$0x2];
	_ =	strace $0x80000047  }
0x8: {  	s4 =	srdreg.scid  }
0x9: {  	s6 =	sshll.u32 s1, $0x1;
	s4 =	sand.u32 $0x1, s4  }
0xa: {  	s8 =	sadd.s32 $0x6E00, s3;
	s6 =	sor.u32 s4, s6  }
0xb: {  	s11 =	simm.s32 $0x2000;
	s12 =	simm.s32 $0x0;
	s7 =	smul.u32 $0x1800, s6  }
0xc: {  	s9 =	ssub.s32 $0x2, s4;
	s10 =	smul.u32 $0x300, s6;
	s6 =	sshll.u32 s6, $0x4  }
0xd: {  	s31 =	sshrl.u32 s9, $0x1;
	s5 =	sadd.s32 s5, s6;
	s30 =	sshrl.u32 s7, $0x3  }
0xe: {  	s6 =	sadd.s32 s8, s10;
	s10 =	simm.s32 $0x1000;
	s7 =	sadd.s32 s8, s30  }
0xf: {  	s3 =	sadd.s32 $0x100, s7;
	s4 =	sadd.s32 $0x200, s7;
	s7 =	ssub.s32 s9, s31  }
0x10: {  	v0 =	vimm.f32 $1.000000000e+10;
	vm0 =	vmmov $0x1;
	v1 =	vlaneseq.u32;
	s8 =	simm.s32 $0x1;
	s9 =	simm.s32 $0x800;
	s7 =	smax.u32 s7, $0x1  }
.LBB2_2:
0x11: {  	[tilespmem:s2], [sflag:$0x1] =	stream.linear.gather [hbm4b:s6+s2], $0x800, $0x38;
	[tilespmem:$0x2080] =	vst v63  }
0x12: {  	_ =	swait.ge [sflag:s8], $0x800  }
0x13: {  	[sflag:s8] =	ssyncset.done $0x0  }
0x14: {  	[sflag:s8] =	ssyncadd.s32 $0xFFFFF800  }
0x15: {  	[tilespmem:s9], [sflag:$0x1] =	stream.linear.gather [hbm4b:s3+s2], $0x800, $0x38;
	[tilespmem:$0x2080] =	vst v63  }
0x16: {  	_ =	swait.ge [sflag:s8], $0x800  }
0x17: {  	[sflag:s8] =	ssyncset.done $0x0  }
0x18: {  	[sflag:s8] =	ssyncadd.s32 $0xFFFFF800  }
0x19: {  	[tilespmem:s10], [sflag:$0x1] =	stream.linear.gather [hbm4b:s4+s2], $0x800, $0x38;
	[tilespmem:$0x2080] =	vst v63  }
0x1a: {  	_ =	swait.ge [sflag:s8], $0x800  }
0x1b: {  	[sflag:s8] =	ssyncset.done $0x0  }
0x1c: {  	s13 =	simm.s32 $0x1840;
	[sflag:s8] =	ssyncadd.s32 $0xFFFFF800  }
0x1d: {  	[tilespmem:s13+$0xFFFFFFC0] =	vst v0  }
0x1e: {  	[tilespmem:s13+$0x30] =	vst v0  }
0x1f: {  	[tilespmem:s13+$0x20] =	vst v0  }
0x20: {  	[tilespmem:s13+$0x10] =	vst v0  }
0x21: {  	[tilespmem:s13+$0x0] =	vst v0  }
0x22: {  	[tilespmem:s13+$0xFFFFFFF0] =	vst v0  }
0x23: {  	s14 =	simm.s32 $0x0;
	[tilespmem:s13+$0xFFFFFFE0] =	vst v0  }
.LBB2_3:
0x24: {  	s14 =	sadd.s32 $0x8, s14;
	[tilespmem:s13+$0xFFFFFFD0] =	vst v0;
	s13 =	sadd.s32 $0x80, s13  }
0x25: {  	[tilespmem:s13+$0xFFFFFFC0] =	vst v0;
	p0 =	slt.u32 s14, $0x78  }
0x26: {  	[tilespmem:s13+$0x30] =	vst v0  }
.Ltmp1:
0x27: {  	[tilespmem:s13+$0x20] =	vst v0;
	(pc) =	sbr.rel @p0 .LBB2_3-.Ltmp1, $4  }
0x28: {  	[tilespmem:s13+$0x10] =	vst v0  }
0x29: {  	[tilespmem:s13+$0x0] =	vst v0  }
0x2a: {  	[tilespmem:s13+$0xFFFFFFF0] =	vst v0  }
0x2b: {  	[tilespmem:s13+$0xFFFFFFE0] =	vst v0  }
0x2c: {  	[tilespmem:s13+$0xFFFFFFD0] =	vst v0  }
0x2d: {  	v2 =	vld [tilespmem:$0x0]  }
0x2e: {  	v3 =	vld [tilespmem:$0x800]  }
0x2f: {  	v4 =	vld [tilespmem:$0x1000];
	_ =	sdelay $0x2  }
0x30: {  	v2 =	vnsel vm0, $0x0, v2  }
0x31: {  	(xrf2) =	vadd.scan.msk.f32 $0xffff, v2;
	v2 =	vnsel vm0, $0x0, v3  }
0x32: {  	(xrf2) =	vadd.scan.msk.f32 $0xffff, v2;
	v2 =	vnsel vm0, $0x0, v4  }
0x33: {  	(xrf2) =	vadd.scan.msk.f32 $0xffff, v2;
	_ =	sdelay $0x7  }
0x34: {  	v2, _, _ =	vpop (xrf2)  }
0x35: {  	v3, _, _ =	vpop (xrf2);
	(v2sf) =	vpush v2, $0xF  }
0x36: {  	(v2sf) =	vpush v3, $0xF;
	v2, _, _ =	vpop (xrf2)  }
0x37: {  	(v2sf) =	vpush v2, $0xF;
	_ =	sdelay $0xc  }
0x38: {  	s17 =	spop (v2sf)  }
0x39: {  	s14 =	spop (v2sf)  }
0x3a: {  	s15 =	simm.s32 $0x0;
	s13 =	simm.s32 $0x0;
	v3 =	vimm.s32 $0x0;
	v2 =	vimm.s32 $0x0;
	s18 =	spop (v2sf)  }
.LBB2_5:
0x3b: {  	s16 =	sand.u32 $0xF, s13  }
0x3c: {  	v4 =	vmov s16  }
0x3d: {  	vm1 =	veq.s32 v4, v1  }
0x3e: {  	p0 =	sne.s32 s16, $0xF;
	v3 =	vsel vm1, s15, v3  }
0x3f: {  	s19 =	simm.s32 $0x1040;
	[tilespmem:s13+$0x1FF1] =	vst @!p0 v3  }
0x40: {  	v7 =	vld [tilespmem:s19+$0x30]  }
0x41: {  	s15 =	simm.s32 $0x40;
	v6 =	vld [tilespmem:s19+$0x20]  }
0x42: {  	s16 =	simm.s32 $0x840;
	v8 =	vld [tilespmem:s15+$0x30]  }
0x43: {  	v9 =	vld [tilespmem:s16+$0x30]  }
0x44: {  	v10 =	vld [tilespmem:s19+$0x10]  }
0x45: {  	v11 =	vld [tilespmem:s15+$0x20]  }
0x46: {  	v12 =	vld [tilespmem:s16+$0x20]  }
0x47: {  	v13 =	vld [tilespmem:s19+$0x0]  }
0x48: {  	v14 =	vld [tilespmem:s15+$0x10]  }
0x49: {  	v15 =	vld [tilespmem:s16+$0x10]  }
0x4a: {  	v16 =	vld [tilespmem:s19+$0xFFFFFFF0]  }
0x4b: {  	v17 =	vld [tilespmem:s15+$0x0]  }
0x4c: {  	v4 =	vmov s18;
	v21 =	vld [tilespmem:s19+$0xFFFFFFE0]  }
0x4d: {  	v5 =	vmov s17;
	v23 =	vld [tilespmem:s15+$0xFFFFFFF0];
	v19 =	vsub.f32 v6, v4  }
0x4e: {  	v26 =	vimm.f32 $-1.000000000e+00;
	s31 =	simm.s32 $0x0;
	v29 =	vld [tilespmem:s15+$0xFFFFFFE0];
	v20 =	vsub.f32 v7, v4;
	v22 =	vsub.f32 v8, v5  }
0x4f: {  	v38 =	vor.u32 s31, v1;
	v18 =	vld [tilespmem:s16+$0x0];
	v24 =	vsub.f32 v10, v4;
	v27 =	vsub.f32 v11, v5  }
0x50: {  	s26 =	simm.s32 $0x40;
	v32 =	vld [tilespmem:s19+$0xFFFFFFC0];
	v6 =	vmov s14;
	v30 =	vsub.f32 v13, v4;
	v31 =	vsub.f32 v14, v5  }
0x51: {  	s28 =	simm.s32 $0x30;
	v10 =	vld [tilespmem:s19+$0xFFFFFFD0];
	v7 =	vor.u32 s26, v1;
	v33 =	vsub.f32 v16, v4;
	v35 =	vsub.f32 v17, v5  }
0x52: {  	s30 =	simm.s32 $0x10;
	v34 =	vld [tilespmem:s15+$0xFFFFFFC0];
	v8 =	vor.u32 s28, v1;
	v39 =	vsub.f32 v21, v4;
	v40 =	vsub.f32 v23, v5  }
0x53: {  	v37 =	vld [tilespmem:s16+$0xFFFFFFC0];
	v11 =	vor.u32 s30, v1;
	v29 =	vsub.f32 v29, v5;
	v25 =	vsub.f32 v9, v6  }
0x54: {  	v58 =	vld [tilespmem:s16+$0xFFFFFFE0];
	v28 =	vsub.f32 v12, v6;
	v12 =	vmul.f32 v19, v19;
	v13 =	vmul.f32 v22, v22  }
0x55: {  	v23 =	vld [tilespmem:s15+$0xFFFFFFD0];
	v15 =	vsub.f32 v15, v6;
	v16 =	vmul.f32 v24, v24;
	v17 =	vmul.f32 v27, v27  }
0x56: {  	v19 =	vmul.f32 v30, v30;
	v41 =	vsub.f32 v10, v4;
	v10 =	vmul.f32 v20, v20;
	v20 =	vld [tilespmem:s16+$0xFFFFFFD0]  }
0x57: {  	v36 =	vsub.f32 v18, v6;
	v21 =	vmul.f32 v31, v31;
	v24 =	vmul.f32 v35, v35  }
0x58: {  	v27 =	vsub.f32 v34, v5;
	v29 =	vmul.f32 v29, v29;
	v14 =	vmul.f32 v25, v25  }
0x59: {  	v30 =	vld [tilespmem:s16+$0xFFFFFFF0];
	v25 =	vsub.f32 v32, v4;
	v18 =	vmul.f32 v28, v28;
	v28 =	vsub.f32 v37, v6  }
0x5a: {  	v22 =	vmul.f32 v15, v15;
	v32 =	vsub.f32 v58, v6;
	v27 =	vmul.f32 v27, v27  }
0x5b: {  	s29 =	simm.s32 $0x20;
	s14 =	simm.s32 $0x1840;
	v15 =	vsub.f32 v23, v5;
	v28 =	vmul.f32 v28, v28;
	v20 =	vsub.f32 v20, v6  }
0x5c: {  	v9 =	vor.u32 s29, v1;
	v31 =	vld [tilespmem:s14+$0xFFFFFFC0];
	v25 =	vmul.f32 v25, v25;
	v32 =	vmul.f32 v32, v32  }
0x5d: {  	v60 =	vld [tilespmem:s14+$0xFFFFFFD0];
	v27 =	vadd.f32 v28, v27;
	v28 =	vmul.f32 v15, v15;
	v20 =	vmul.f32 v20, v20  }
0x5e: {  	v59 =	vmul.f32 v39, v39;
	v15 =	vld [tilespmem:s14+$0x30];
	v30 =	vsub.f32 v30, v6;
	v29 =	vadd.f32 v32, v29  }
0x5f: {  	v61 =	vmul.f32 v41, v41;
	v25 =	vadd.f32 v25, v27;
	v27 =	vld [tilespmem:s14+$0xFFFFFFE0];
	v28 =	vadd.f32 v20, v28  }
0x60: {  	v62 =	vmul.f32 v40, v40;
	v30 =	vmul.f32 v30, v30;
	v32 =	vadd.f32 v59, v29;
	v29 =	vld [tilespmem:s14+$0xFFFFFFF0]  }
0x61: {  	v23 =	vmul.f32 v33, v33;
	v63 =	vmin.f32 v31, v25;
	v25 =	vld [tilespmem:s14+$0x10];
	v28 =	vadd.f32 v61, v28  }
0x62: {  	v31 =	vmul.f32 v36, v36;
	v33 =	vadd.f32 v30, v62;
	vm1 =	vgt.f32 v63, v26;
	v20 =	vld [tilespmem:s14+$0x20]  }
0x63: {  	s17 =	simm.s32 $0x70;
	s18 =	simm.s32 $0x0;
	s19 =	simm.s32 $0x10C0;
	[tilespmem:s14+$0xFFFFFFC0] =	vst v63;
	v34 =	vsel vm1, v63, v26;
	v30 =	vsel vm1, v38, v2;
	v26 =	vmin.f32 v60, v28;
	v28 =	vld [tilespmem:s14+$0x0]  }
.LBB2_6:
0x64: {  	v35 =	vld [tilespmem:s19+$0x30];
	[tilespmem:s14+$0xFFFFFFD0] =	vst v26;
	vm1 =	vgt.f32 v26, v34;
	v23 =	vadd.f32 v23, v33;
	v24 =	vadd.f32 v31, v24  }
0x65: {  	s15 =	sadd.s32 $0x80, s15;
	v31 =	vld [tilespmem:s19+$0x20];
	v26 =	vsel vm1, v26, v34;
	v11 =	vsel vm1, v11, v30;
	v27 =	vmin.f32 v27, v32  }
0x66: {  	v21 =	vadd.f32 v22, v21;
	s16 =	sadd.s32 $0x80, s16;
	v30 =	vld [tilespmem:s15+$0x30];
	[tilespmem:s14+$0xFFFFFFE0] =	vst v27;
	vm1 =	vgt.f32 v27, v26;
	v19 =	vadd.f32 v19, v24  }
0x67: {  	v22 =	vld [tilespmem:s16+$0x30];
	v24 =	vsel vm1, v27, v26;
	v9 =	vsel vm1, v9, v11;
	v11 =	vmin.f32 v29, v23  }
0x68: {  	v17 =	vadd.f32 v18, v17;
	v16 =	vadd.f32 v16, v21;
	v23 =	vld [tilespmem:s19+$0x10];
	[tilespmem:s14+$0xFFFFFFF0] =	vst v11;
	vm1 =	vgt.f32 v11, v24  }
0x69: {  	v18 =	vld [tilespmem:s15+$0x20];
	v11 =	vsel vm1, v11, v24;
	v8 =	vsel vm1, v8, v9;
	v9 =	vmin.f32 v28, v19  }
0x6a: {  	v13 =	vadd.f32 v14, v13;
	v12 =	vadd.f32 v12, v17;
	v19 =	vld [tilespmem:s16+$0x20];
	[tilespmem:s14+$0x0] =	vst v9;
	vm1 =	vgt.f32 v9, v11  }
0x6b: {  	s20 =	sadd.s32 $0xFFFFFFE0, s17;
	v14 =	vld [tilespmem:s19+$0x0];
	v9 =	vsel vm1, v9, v11;
	v7 =	vsel vm1, v7, v8;
	v8 =	vmin.f32 v25, v16  }
0x6c: {  	v10 =	vadd.f32 v10, v13;
	v16 =	vor.u32 s20, v1;
	v11 =	vld [tilespmem:s15+$0x10];
	[tilespmem:s14+$0x10] =	vst v8;
	vm1 =	vgt.f32 v8, v9  }
0x6d: {  	s20 =	sadd.s32 $0xFFFFFFF0, s17;
	v13 =	vld [tilespmem:s16+$0x10];
	v8 =	vsel vm1, v8, v9;
	v7 =	vsel vm1, v16, v7;
	v9 =	vmin.f32 v20, v12  }
0x6e: {  	v17 =	vor.u32 s17, v1;
	v16 =	vor.u32 s20, v1;
	v12 =	vld [tilespmem:s19+$0xFFFFFFF0];
	[tilespmem:s14+$0x20] =	vst v9;
	vm1 =	vgt.f32 v9, v8  }
0x6f: {  	v20 =	vld [tilespmem:s15+$0x0];
	v8 =	vsel vm1, v9, v8;
	v7 =	vsel vm1, v16, v7;
	v9 =	vmin.f32 v15, v10  }
0x70: {  	v15 =	vsub.f32 v31, v4;
	v16 =	vsub.f32 v35, v4;
	v10 =	vld [tilespmem:s16+$0x0];
	[tilespmem:s14+$0x30] =	vst v9;
	vm1 =	vgt.f32 v9, v8  }
0x71: {  	v24 =	vsub.f32 v30, v5;
	s17 =	sadd.s32 $0x80, s17;
	v21 =	vld [tilespmem:s19+$0xFFFFFFE0];
	v26 =	vsel vm1, v9, v8;
	v28 =	vsel vm1, v17, v7  }
0x72: {  	v22 =	vsub.f32 v22, v6;
	s20 =	sadd.s32 $0xFFFFFFD0, s17;
	v23 =	vsub.f32 v23, v4;
	v17 =	vld [tilespmem:s15+$0xFFFFFFF0]  }
0x73: {  	s21 =	sadd.s32 $0xFFFFFFC0, s17;
	v18 =	vsub.f32 v18, v5;
	v27 =	vsub.f32 v19, v6;
	v7 =	vor.u32 s20, v1;
	v25 =	vld [tilespmem:s19+$0xFFFFFFD0]  }
0x74: {  	v29 =	vsub.f32 v14, v4;
	s20 =	sadd.s32 $0xFFFFFFB0, s17;
	v8 =	vor.u32 s21, v1;
	v30 =	vsub.f32 v11, v5;
	v19 =	vld [tilespmem:s15+$0xFFFFFFE0]  }
0x75: {  	s21 =	sadd.s32 $0xFFFFFFA0, s17;
	v9 =	vor.u32 s20, v1;
	v33 =	vsub.f32 v13, v6;
	v32 =	vsub.f32 v12, v4;
	v31 =	vld [tilespmem:s19+$0xFFFFFFC0]  }
0x76: {  	s20 =	sadd.s32 $0xFFFFFF90, s17;
	v11 =	vor.u32 s21, v1;
	v20 =	vsub.f32 v20, v5;
	v35 =	vsub.f32 v10, v6;
	v34 =	vld [tilespmem:s15+$0xFFFFFFC0]  }
0x77: {  	s18 =	sadd.s32 $0x8, s18;
	v37 =	vor.u32 s20, v1;
	v38 =	vsub.f32 v21, v4;
	v36 =	vld [tilespmem:s16+$0xFFFFFFC0];
	v39 =	vsub.f32 v17, v5  }
0x78: {  	p0 =	slt.u32 s18, $0x78;
	v12 =	vmul.f32 v15, v15;
	v10 =	vmul.f32 v16, v16;
	v40 =	vld [tilespmem:s15+$0xFFFFFFD0];
	v25 =	vsub.f32 v25, v4  }
0x79: {  	v14 =	vmul.f32 v22, v22;
	v13 =	vmul.f32 v24, v24;
	v15 =	vld [tilespmem:s16+$0xFFFFFFD0];
	v41 =	vsub.f32 v19, v5  }
0x7a: {  	v16 =	vmul.f32 v23, v23;
	v17 =	vmul.f32 v18, v18;
	v31 =	vsub.f32 v31, v4;
	v42 =	vld [tilespmem:s16+$0xFFFFFFE0]  }
0x7b: {  	v18 =	vmul.f32 v27, v27;
	v19 =	vmul.f32 v29, v29;
	v34 =	vsub.f32 v34, v5  }
0x7c: {  	v22 =	vmul.f32 v33, v33;
	v21 =	vmul.f32 v30, v30;
	v27 =	vsub.f32 v36, v6;
	v29 =	vld [tilespmem:s16+$0xFFFFFFF0]  }
0x7d: {  	v23 =	vmul.f32 v32, v32;
	v24 =	vmul.f32 v20, v20;
	v30 =	vsub.f32 v40, v5  }
0x7e: {  	s14 =	sadd.s32 $0x80, s14;
	v20 =	vmul.f32 v34, v34;
	v27 =	vmul.f32 v27, v27;
	v15 =	vsub.f32 v15, v6  }
0x7f: {  	v31 =	vmul.f32 v31, v31;
	v34 =	vmul.f32 v38, v38;
	v32 =	vld [tilespmem:s14+$0xFFFFFFC0];
	v33 =	vsub.f32 v42, v6  }
0x80: {  	v20 =	vadd.f32 v27, v20;
	v27 =	vmul.f32 v30, v30;
	v30 =	vmul.f32 v15, v15;
	v15 =	vld [tilespmem:s14+$0x30]  }
0x81: {  	v38 =	vmul.f32 v41, v41;
	v36 =	vld [tilespmem:s14+$0xFFFFFFD0];
	v33 =	vmul.f32 v33, v33;
	v29 =	vsub.f32 v29, v6  }
.Ltmp2:
0x82: {  	v25 =	vmul.f32 v25, v25;
	v31 =	vadd.f32 v31, v20;
	v30 =	vadd.f32 v30, v27;
	v20 =	vld [tilespmem:s14+$0x20];
	(pc) =	sbr.rel @p0 .LBB2_6-.Ltmp2, $4  }
0x83: {  	v33 =	vadd.f32 v33, v38;
	v27 =	vld [tilespmem:s14+$0xFFFFFFE0];
	v38 =	vmul.f32 v39, v39;
	v29 =	vmul.f32 v29, v29  }
0x84: {  	v39 =	vmin.f32 v32, v31;
	v40 =	vadd.f32 v25, v30;
	v31 =	vmul.f32 v35, v35;
	v25 =	vld [tilespmem:s14+$0x10]  }
0x85: {  	[tilespmem:s14+$0xFFFFFFC0] =	vst v39;
	vm1 =	vgt.f32 v39, v26;
	v32 =	vadd.f32 v34, v33;
	v33 =	vadd.f32 v29, v38;
	v29 =	vld [tilespmem:s14+$0xFFFFFFF0]  }
0x86: {  	s19 =	sadd.s32 $0x80, s19;
	v34 =	vsel vm1, v39, v26;
	v30 =	vsel vm1, v37, v28;
	v26 =	vmin.f32 v36, v40;
	v28 =	vld [tilespmem:s14+$0x0]  }
0x87: {  	vm1 =	vgt.f32 v26, v34;
	v4 =	vadd.f32 v31, v24  }
0x88: {  	v5 =	vadd.f32 v23, v33;
	v6 =	vsel vm1, v26, v34;
	v54 =	vmin.f32 v27, v32  }
0x89: {  	v55 =	vadd.f32 v22, v21;
	vm2 =	vgt.f32 v54, v6  }
0x8a: {  	v4 =	vadd.f32 v19, v4;
	v6 =	vsel vm2, v54, v6;
	v5 =	vmin.f32 v29, v5  }
0x8b: {  	v17 =	vadd.f32 v18, v17;
	vm3 =	vgt.f32 v5, v6  }
0x8c: {  	v16 =	vadd.f32 v16, v55;
	v4 =	vmin.f32 v28, v4;
	v6 =	vsel vm3, v5, v6  }
0x8d: {  	v13 =	vadd.f32 v14, v13;
	vm4 =	vgt.f32 v4, v6  }
0x8e: {  	v12 =	vadd.f32 v12, v17;
	v56 =	vmin.f32 v25, v16;
	v6 =	vsel vm4, v4, v6  }
0x8f: {  	vm5 =	vgt.f32 v56, v6  }
0x90: {  	v10 =	vadd.f32 v10, v13;
	v12 =	vmin.f32 v20, v12;
	v6 =	vsel vm5, v56, v6  }
0x91: {  	vm6 =	vgt.f32 v12, v6  }
0x92: {  	v10 =	vmin.f32 v15, v10;
	v6 =	vsel vm6, v12, v6  }
0x93: {  	vm7 =	vgt.f32 v10, v6  }
0x94: {  	v6 =	vsel vm7, v10, v6  }
0x95: {  	(xrf0) =	vmax.scan.msk.f32 $0xffff, v6;
	_ =	sdelay $0x1  }
0x96: {  	v11 =	vsel vm1, v11, v30  }
0x97: {  	v9 =	vsel vm2, v9, v11  }
0x98: {  	s15 =	sadd.s32 $0xFFFFFFE0, s17;
	v8 =	vsel vm3, v8, v9  }
0x99: {  	s28 =	sadd.s32 $0xFFFFFFF0, s17;
	v57 =	vor.u32 s15, v1;
	v7 =	vsel vm4, v7, v8  }
0x9a: {  	v58 =	vor.u32 s28, v1;
	v7 =	vsel vm5, v57, v7;
	v59, _, _ =	vpop (xrf0)  }
0x9b: {  	v60 =	vor.u32 s17, v1;
	v7 =	vsel vm6, v58, v7;
	v9 =	vbroadcast v59, $0xF  }
0x9c: {  	v7 =	vsel vm7, v60, v7  }
0x9d: {  	v61 =	vxor.u32 $0x80000000, v7;
	vm1 =	veq.f32 v6, v9  }
0x9e: {  	v6 =	vnsel vm1, $0x80000800, v61  }
0x9f: {  	(xrf0) =	vmin.scan.msk.u32 $0xffff, v6;
	_ =	sdelay $0x5  }
0xa0: {  	v6, _, _ =	vpop (xrf0)  }
0xa1: {  	(v2sf) =	vpush v6, $0xF;
	_ =	sdelay $0xe  }
0xa2: {  	s16 =	spop (v2sf)  }
0xa3: {  	s15 =	sxor.u32 $0x80000000, s16  }
0xa4: {  	[tilespmem:s14+$0xFFFFFFD0] =	vst v26;
	p1 =	sgt.s32 s16, $0xFFFFFFFF;
	s16 =	sand.u32 $0xF, s16;
	p0 =	slt.s32 s15, $0x1  }
0xa5: {  	[tilespmem:s14+$0xFFFFFFE0] =	vst v54;
	s29 =	sshra.s32 s15, $0x1F;
	p6 =	sne.s32 s16, $0x0;
	p0 =	por p1, p0  }
0xa6: {  	[tilespmem:s14+$0xFFFFFFF0] =	vst v5;
	s30 =	sshrl.u32 s29, $0x1C;
	p0 =	por !p6, !p0  }
0xa7: {  	s17 =	simm.s32 $0x1;
	[tilespmem:s14+$0x0] =	vst v4;
	s16 =	sadd.s32 s30, s15;
	p0 =	por !p0, !p0  }
0xa8: {  	[tilespmem:s14+$0x10] =	vst v56;
	s16 =	sshrl.u32 s16, $0x4;
	s17 =	simm.s32 @!p0 $0x0  }
0xa9: {  	[tilespmem:s14+$0x20] =	vst v12;
	s16 =	ssub.s32 s16, s17  }
0xaa: {  	[tilespmem:s14+$0x30] =	vst v10;
	s31 =	sshll.u32 s16, $0x4  }
0xab: {  	v4 =	vld [tilespmem:s31+$0x0]  }
0xac: {  	v5 =	vld [tilespmem:s31+$0x800]  }
0xad: {  	s16 =	ssub.s32 s15, s31;
	v62 =	vld [tilespmem:s31+$0x1000]  }
0xae: {  	v63 =	vmov s16  }
0xaf: {  	vm1 =	veq.s32 v63, v1  }
0xb0: {  	v4 =	vnsel vm1, $0x0, v4  }
0xb1: {  	(xrf2) =	vadd.scan.msk.f32 $0xffff, v4;
	v4 =	vnsel vm1, $0x0, v5  }
0xb2: {  	(xrf2) =	vadd.scan.msk.f32 $0xffff, v4;
	v4 =	vnsel vm1, $0x0, v62  }
0xb3: {  	(xrf2) =	vadd.scan.msk.f32 $0xffff, v4;
	_ =	sdelay $0x7  }
0xb4: {  	v4, _, _ =	vpop (xrf2)  }
0xb5: {  	v5, _, _ =	vpop (xrf2);
	(v2sf) =	vpush v4, $0xF  }
0xb6: {  	(v2sf) =	vpush v5, $0xF;
	v4, _, _ =	vpop (xrf2)  }
0xb7: {  	(v2sf) =	vpush v4, $0xF;
	_ =	sdelay $0x8  }
0xb8: {  	s13 =	sadd.s32 $0x1, s13  }
0xb9: {  	p0 =	sne.s32 s13, $0x80  }
.Ltmp3:
0xba: {  	_ = 	snop;
	(pc) =	sbr.rel @p0 .LBB2_5-.Ltmp3, $4  }
0xbb: {  	_ = 	snop  }
0xbc: {  	s17 =	spop (v2sf)  }
0xbd: {  	s14 =	spop (v2sf)  }
0xbe: {  	s18 =	spop (v2sf)  }
0xbf: {  	s12 =	sadd.s32 $0x1, s12  }
0xc0: {  	p0 =	sne.s32 s12, s7  }
.Ltmp4:
0xc1: {  	_ = 	snop;
	(pc) =	sbr.rel @p0 .LBB2_2-.Ltmp4, $4  }
0xc2: {  	[hbm4b:s5+s2] =	stream.linear.scatter [tilespmem:s11], [sflag:$0x1], $0x80, $0x38;
	[tilespmem:$0x2080] =	vst v63  }
0xc3: {  	_ =	swait.ge [sflag:s8], $0x80  }
0xc4: {  	[sflag:s8] =	ssyncset.done $0x0  }
0xc5: {  	[sflag:s8] =	ssyncadd.s32 $0xFFFFFF80  }
.LBB2_9:
0xc6: {  	_ =	sfence.sel $0x180000  }
0xc7: {  	[bflag:$0x0] =	sbarrier.arrive $0xFFFF  }
0xc8: {  	p0 =	sne.s32 s1, $0x0;
	_ =	strace $0x90000047  }
0xc9: {  	s0 =	sadd.s32 @!p0 $0x100000, s0;
	[bflag:$0x2] =	sbarrier.arrive $0xFFFF  }
0xca: {  	[sflag:s0] =	ssyncadd.tile.s32 @!p0 $0x1;
	_ =	shalt  }
.Lfunc_end2:
_tile_overlayer_lowered:
.L_overlay_start_2:
0xcb: {  	(tag) =	ssettag $0x2  }
0xcc: {  	s0 =	rddreg [dreg:$0x0];
	s2 =	stileid.u32  }
0xcd: {  	s1 =	rddreg [dreg:$0x1];
	p0 =	sne.s32 s2, $0x0  }
0xce: {  	s3 =	rddreg [dreg:$0x2];
	[bflag:$0x3] =	sbarrier.arrive $0xFFFF;
	s2 =	simm.s32 @!p0 $0x1C01  }
0xcf: {  	[timem:s3], [sflag:s2] =	dma.local @!p0 [hbm:s0], s1  }
0xd0: {  	s0 =	simm.s32 @!p0 $0x1  }
0xd1: {  	_ =	swait.ge @!p0 [sflag:s0], s1  }
0xd2: {  	s1 =	ssub.s32 @!p0 $0x0, s1;
	[sflag:s0] =	ssyncset.done @!p0 $0x0  }
0xd3: {  	[sflag:s0] =	ssyncadd.s32 @!p0 s1  }
0xd4: {  	[bflag:$0x3] =	sbarrier.arrive $0xFFFF  }
0xd5: {  	_ =	shalt  }

</sc_bundles>
